<compile_context>
chip_gen: v7x
topology: tpu7x:2x2x1
jax: 0.10.2.dev20260603
libtpu: 0.0.44.dev20260713+nightly
codegen_flags: <defaults>
</compile_context>

<pallas_src>
import functools

import jax
import jax.numpy as jnp
from jax import lax
from jax.experimental import pallas as pl
from jax.experimental.pallas import tpu as pltpu
from jax.experimental.pallas import tpu_sc as plsc

NC = 2
NS = 16
L = 16
NW = NC * NS
B = 16384
D = 128
D1 = 50
BPW = B // NW
GI = 64
NG = BPW // GI

_mesh = plsc.VectorSubcoreMesh(core_axis_name="c", subcore_axis_name="s")


@functools.partial(
    pl.kernel,
    out_type=jax.ShapeDtypeStruct((B, D), jnp.float32),
    mesh=_mesh,
    compiler_params=pltpu.CompilerParams(needs_layout_passes=False),
    scratch_types=[
        pltpu.VMEM((BPW,), jnp.int32),
        pltpu.VMEM((NG, GI, D), jnp.float32),
        pltpu.VMEM_SHARED((100, D), jnp.float32),
        [pltpu.SemaphoreType.DMA] * NG,
        pltpu.SemaphoreType.DMA,
        pltpu.SemaphoreType.DMA,
    ],
)
def _sc_emb(z_hbm, tab_hbm, emb_hbm, idx_v, rows_v, tab_sh, gsems, osem, ssem):
    wid = lax.axis_index("s") * NC + lax.axis_index("c")
    base = wid * BPW
    sid = lax.axis_index("s")

    idx_d = pltpu.async_copy(z_hbm.at[pl.ds(base, BPW)], idx_v, ssem)

    @pl.when(sid == 0)
    def _():
        pltpu.sync_copy(tab_hbm, tab_sh)

    idx_d.wait()
    plsc.subcore_barrier()
    gd = [pltpu.async_copy(tab_sh.at[idx_v.at[pl.ds(j * GI, GI)]],
                           rows_v.at[j], gsems[j])
          for j in range(NG)]
    od = []
    for j in range(NG):
        gd[j].wait()
        od.append(pltpu.async_copy(rows_v.at[j],
                                   emb_hbm.at[pl.ds(base + j * GI, GI)], osem))
    for o in od:
        o.wait()


TC_R = 4096


def _tc_lin_body(z1_ref, z2_ref, z3_ref, w1_ref, b1_ref, w2_ref, b2_ref,
                 w3_ref, b3_ref, o1t_ref, o2_ref, o3_ref):
    z2 = z2_ref[...].reshape(TC_R, 1)
    z3 = z3_ref[...].reshape(TC_R, 1)
    z1 = z1_ref[...].reshape(1, TC_R)
    o1t_ref[...] = (w1_ref[...].reshape(D1, 1) * z1
                    + b1_ref[...].reshape(D1, 1))
    o2_ref[...] = z2 * w2_ref[...].reshape(1, D) + b2_ref[...].reshape(1, D)
    o3_ref[...] = z3 * w3_ref[...].reshape(1, D) + b3_ref[...].reshape(1, D)


_tc_lin = pl.pallas_call(
    _tc_lin_body,
    grid=(B // TC_R,),
    in_specs=[
        pl.BlockSpec((TC_R,), lambda i: (i,)),
        pl.BlockSpec((TC_R,), lambda i: (i,)),
        pl.BlockSpec((TC_R,), lambda i: (i,)),
        pl.BlockSpec((D1,), lambda i: (0,)),
        pl.BlockSpec((D1,), lambda i: (0,)),
        pl.BlockSpec((D,), lambda i: (0,)),
        pl.BlockSpec((D,), lambda i: (0,)),
        pl.BlockSpec((D,), lambda i: (0,)),
        pl.BlockSpec((D,), lambda i: (0,)),
    ],
    out_specs=[
        pl.BlockSpec((D1, TC_R), lambda i: (0, i)),
        pl.BlockSpec((TC_R, D), lambda i: (i, 0)),
        pl.BlockSpec((TC_R, D), lambda i: (i, 0)),
    ],
    out_shape=[
        jax.ShapeDtypeStruct((D1, B), jnp.float32),
        jax.ShapeDtypeStruct((B, D), jnp.float32),
        jax.ShapeDtypeStruct((B, D), jnp.float32),
    ],
)


def kernel(z, z1, z2, z3, emb_table, W1, b1, W2, b2, W3, b3):
    emb = _sc_emb(z.astype(jnp.int32), emb_table)
    o1t, o2, o3 = _tc_lin(z1, z2, z3, W1.reshape(-1), b1,
                          W2.reshape(-1), b2, W3.reshape(-1), b3)
    return emb, o1t.T, o2, o3

# --- scband reference (transcript-rebuilt; emitter-appended) ---
"""Pipeline reference for scband-init-v-85341000171718 (READ-ONLY COPY).

The authoritative reference and input builder live on the scoring server;
editing this copy changes nothing except your own understanding.
"""

import jax, jax.numpy as jnp
import numpy as np

HIDDEN = 128
VOCAB = 100

def setup_inputs(seed: int = 0) -> dict:
    key = jax.random.key(seed)
    ks = jax.random.split(key, 12)
    z = jax.random.randint(ks[0], (16384,), 0, VOCAB, dtype=jnp.int64)
    z1 = jax.random.normal(ks[1], (16384,), dtype=jnp.float32)
    z2 = jax.random.normal(ks[2], (16384,), dtype=jnp.float32)
    z3 = jax.random.normal(ks[3], (16384,), dtype=jnp.float32)
    emb_table = jax.random.normal(ks[4], (VOCAB, HIDDEN), dtype=jnp.float32)
    W1 = jax.random.normal(ks[5], (50, 1), dtype=jnp.float32) * 0.1
    b1 = jax.random.normal(ks[6], (50,), dtype=jnp.float32) * 0.1
    W2 = jax.random.normal(ks[7], (HIDDEN, 1), dtype=jnp.float32) * 0.1
    b2 = jax.random.normal(ks[8], (HIDDEN,), dtype=jnp.float32) * 0.1
    W3 = jax.random.normal(ks[9], (HIDDEN, 1), dtype=jnp.float32) * 0.1
    b3 = jax.random.normal(ks[10], (HIDDEN,), dtype=jnp.float32) * 0.1
    return {"z": z, "z1": z1, "z2": z2, "z3": z3,
            "emb_table": emb_table, "W1": W1, "b1": b1,
            "W2": W2, "b2": b2, "W3": W3, "b3": b3}

def reference(z, z1, z2, z3, emb_table, W1, b1, W2, b2, W3, b3):
    emb_out = jnp.take(emb_table, z, axis=0)
    o1 = z1.reshape(-1, 1) @ W1.T + b1
    o2 = z2.reshape(-1, 1) @ W2.T + b2
    o3 = z3.reshape(-1, 1) @ W3.T + b3
    return (emb_out, o1, o2, o3)

if __name__ == "__main__":
    import jax
    _d = setup_inputs()
    print(jax.jit(kernel)(*tuple(_d.values())))

</pallas_src>

<mosaic_0001>
#map = affine_map<(d0, d1) -> (0)>
#map1 = affine_map<(d0, d1) -> (0, 0)>
module attributes {stable_mosaic.version = 14 : i64} {
  func.func @_sc_emb(%arg0: i32, %arg1: i32, %arg2: memref<16384xi32, #tpu.memory_space<hbm>>, %arg3: memref<100x128xf32, #tpu.memory_space<hbm>>, %arg4: memref<16384x128xf32, #tpu.memory_space<hbm>>, %arg5: memref<512xi32, #tpu.memory_space<vmem>>, %arg6: memref<8x64x128xf32, #tpu.memory_space<vmem>>, %arg7: memref<100x128xf32, #tpu.memory_space<vmem_shared>>, %arg8: memref<!tpu.dma_semaphore, #tpu.memory_space<semaphore_mem>>, %arg9: memref<!tpu.dma_semaphore, #tpu.memory_space<semaphore_mem>>, %arg10: memref<!tpu.dma_semaphore, #tpu.memory_space<semaphore_mem>>, %arg11: memref<!tpu.dma_semaphore, #tpu.memory_space<semaphore_mem>>, %arg12: memref<!tpu.dma_semaphore, #tpu.memory_space<semaphore_mem>>, %arg13: memref<!tpu.dma_semaphore, #tpu.memory_space<semaphore_mem>>, %arg14: memref<!tpu.dma_semaphore, #tpu.memory_space<semaphore_mem>>, %arg15: memref<!tpu.dma_semaphore, #tpu.memory_space<semaphore_mem>>, %arg16: memref<!tpu.dma_semaphore, #tpu.memory_space<semaphore_mem>>, %arg17: memref<!tpu.dma_semaphore, #tpu.memory_space<semaphore_mem>>) attributes {dimension_semantics = [#tpu.dimension_semantics<core_parallel>, #tpu.dimension_semantics<subcore_parallel>], iteration_bounds = array<i64: 2, 16>, scalar_prefetch = 0 : i64, scratch_operands = 13 : i64, tpu.core_type = #tpu.core_type<sc_vector_subcore>, window_params = [{transform_indices = #map}, {transform_indices = #map1}, {transform_indices = #map1}]} {
    %mul3A = arith.constant 2 : i32
    %mul3A_0 = arith.muli %arg1, %mul3A : i32
    %add3A = arith.addi %mul3A_0, %arg0 : i32
    %mul3A_1 = arith.constant 512 : i32
    %mul3A_2 = arith.muli %add3A, %mul3A_1 : i32
    %dma_start3A = tpu.memref_slice %arg2[%mul3A_2] : memref<16384xi32, #tpu.memory_space<hbm>> -> memref<512xi32, #tpu.memory_space<hbm>>
    %dma_start3A_3 = tpu.memref_slice %arg2[%mul3A_2] : memref<16384xi32, #tpu.memory_space<hbm>> -> memref<512xi32, #tpu.memory_space<hbm>>
    tpu.enqueue_dma source(%dma_start3A_3 : memref<512xi32, #tpu.memory_space<hbm>>) target(%arg5 : memref<512xi32, #tpu.memory_space<vmem>>) target_semaphore(%arg17 : memref<!tpu.dma_semaphore, #tpu.memory_space<semaphore_mem>>)
    %eq3A = arith.constant 0 : i32
    %eq3A_4 = arith.cmpi eq, %arg1, %eq3A : i32
    %convert_element_type3A = arith.extui %eq3A_4 : i1 to i32
    %cond3A = arith.constant 0 : i32
    %cond3A_5 = arith.cmpi ne, %convert_element_type3A, %cond3A : i32
    scf.if %cond3A_5 {
      "tpu.region"() ({
        %run_scoped3A = tpu.sem_alloc : memref<!tpu.dma_semaphore, #tpu.memory_space<semaphore_mem>>
        tpu.enqueue_dma source(%arg3 : memref<100x128xf32, #tpu.memory_space<hbm>>) target(%arg7 : memref<100x128xf32, #tpu.memory_space<vmem_shared>>) target_semaphore(%run_scoped3A : memref<!tpu.dma_semaphore, #tpu.memory_space<semaphore_mem>>)
        tpu.wait_dma2 semaphore(%run_scoped3A : memref<!tpu.dma_semaphore, #tpu.memory_space<semaphore_mem>>) src(%arg3 : memref<100x128xf32, #tpu.memory_space<hbm>>) dst(%arg7 : memref<100x128xf32, #tpu.memory_space<vmem_shared>>)
        tpu.yield
      }) : () -> ()
    } else {
    }
    %dma_wait3A = tpu.memref_slice %arg2[%mul3A_2] : memref<16384xi32, #tpu.memory_space<hbm>> -> memref<512xi32, #tpu.memory_space<hbm>>
    %dma_wait3A_6 = tpu.memref_slice %arg2[%mul3A_2] : memref<16384xi32, #tpu.memory_space<hbm>> -> memref<512xi32, #tpu.memory_space<hbm>>
    tpu.wait_dma2 semaphore(%arg17 : memref<!tpu.dma_semaphore, #tpu.memory_space<semaphore_mem>>) src(%dma_wait3A_6 : memref<512xi32, #tpu.memory_space<hbm>>) dst(%arg5 : memref<512xi32, #tpu.memory_space<vmem>>)
    %barrier3A = arith.constant 0 : index
    tpu.barrier barrier_id(%barrier3A)
    %dma_start3A_7 = arith.constant 0 : i32
    %dma_start3A_8 = arith.constant 0 : i32
    %dma_start3A_9 = arith.constant 0 : i32
    %dma_start3A_10 = tpu.memref_slice %arg6[%dma_start3A_7, %dma_start3A_8, %dma_start3A_9] : memref<8x64x128xf32, #tpu.memory_space<vmem>> -> memref<1x64x128xf32, #tpu.memory_space<vmem>>
    %dma_start3A_11 = tpu.memref_squeeze %dma_start3A_10 : memref<1x64x128xf32, #tpu.memory_space<vmem>> -> memref<64x128xf32, #tpu.memory_space<vmem>>
    %dma_start3A_12 = arith.constant 0 : i32
    %dma_start3A_13 = tpu.memref_slice %arg5[%dma_start3A_12] : memref<512xi32, #tpu.memory_space<vmem>> -> memref<64xi32, #tpu.memory_space<vmem>>
    %dma_start3A_14 = arith.constant 0 : i32
    %dma_start3A_15 = arith.constant 0 : i32
    %dma_start3A_16 = tpu.memref_slice %arg7[%dma_start3A_14, %dma_start3A_15] : memref<100x128xf32, #tpu.memory_space<vmem_shared>> -> memref<100x128xf32, #tpu.memory_space<vmem_shared>>
    tpu.enqueue_indirect_dma source(%dma_start3A_16 : memref<100x128xf32, #tpu.memory_space<vmem_shared>>) target(%dma_start3A_11 : memref<64x128xf32, #tpu.memory_space<vmem>>) offsets(%dma_start3A_13 : memref<64xi32, #tpu.memory_space<vmem>>) semaphore(%arg8 : memref<!tpu.dma_semaphore, #tpu.memory_space<semaphore_mem>>)
    %dma_start3A_17 = arith.constant 1 : i32
    %dma_start3A_18 = arith.constant 0 : i32
    %dma_start3A_19 = arith.constant 0 : i32
    %dma_start3A_20 = tpu.memref_slice %arg6[%dma_start3A_17, %dma_start3A_18, %dma_start3A_19] : memref<8x64x128xf32, #tpu.memory_space<vmem>> -> memref<1x64x128xf32, #tpu.memory_space<vmem>>
    %dma_start3A_21 = tpu.memref_squeeze %dma_start3A_20 : memref<1x64x128xf32, #tpu.memory_space<vmem>> -> memref<64x128xf32, #tpu.memory_space<vmem>>
    %dma_start3A_22 = arith.constant 64 : i32
    %dma_start3A_23 = tpu.memref_slice %arg5[%dma_start3A_22] : memref<512xi32, #tpu.memory_space<vmem>> -> memref<64xi32, #tpu.memory_space<vmem>>
    %dma_start3A_24 = arith.constant 0 : i32
    %dma_start3A_25 = arith.constant 0 : i32
    %dma_start3A_26 = tpu.memref_slice %arg7[%dma_start3A_24, %dma_start3A_25] : memref<100x128xf32, #tpu.memory_space<vmem_shared>> -> memref<100x128xf32, #tpu.memory_space<vmem_shared>>
    tpu.enqueue_indirect_dma source(%dma_start3A_26 : memref<100x128xf32, #tpu.memory_space<vmem_shared>>) target(%dma_start3A_21 : memref<64x128xf32, #tpu.memory_space<vmem>>) offsets(%dma_start3A_23 : memref<64xi32, #tpu.memory_space<vmem>>) semaphore(%arg9 : memref<!tpu.dma_semaphore, #tpu.memory_space<semaphore_mem>>)
    %dma_start3A_27 = arith.constant 2 : i32
    %dma_start3A_28 = arith.constant 0 : i32
    %dma_start3A_29 = arith.constant 0 : i32
    %dma_start3A_30 = tpu.memref_slice %arg6[%dma_start3A_27, %dma_start3A_28, %dma_start3A_29] : memref<8x64x128xf32, #tpu.memory_space<vmem>> -> memref<1x64x128xf32, #tpu.memory_space<vmem>>
    %dma_start3A_31 = tpu.memref_squeeze %dma_start3A_30 : memref<1x64x128xf32, #tpu.memory_space<vmem>> -> memref<64x128xf32, #tpu.memory_space<vmem>>
    %dma_start3A_32 = arith.constant 128 : i32
    %dma_start3A_33 = tpu.memref_slice %arg5[%dma_start3A_32] : memref<512xi32, #tpu.memory_space<vmem>> -> memref<64xi32, #tpu.memory_space<vmem>>
    %dma_start3A_34 = arith.constant 0 : i32
    %dma_start3A_35 = arith.constant 0 : i32
    %dma_start3A_36 = tpu.memref_slice %arg7[%dma_start3A_34, %dma_start3A_35] : memref<100x128xf32, #tpu.memory_space<vmem_shared>> -> memref<100x128xf32, #tpu.memory_space<vmem_shared>>
    tpu.enqueue_indirect_dma source(%dma_start3A_36 : memref<100x128xf32, #tpu.memory_space<vmem_shared>>) target(%dma_start3A_31 : memref<64x128xf32, #tpu.memory_space<vmem>>) offsets(%dma_start3A_33 : memref<64xi32, #tpu.memory_space<vmem>>) semaphore(%arg10 : memref<!tpu.dma_semaphore, #tpu.memory_space<semaphore_mem>>)
    %dma_start3A_37 = arith.constant 3 : i32
    %dma_start3A_38 = arith.constant 0 : i32
    %dma_start3A_39 = arith.constant 0 : i32
    %dma_start3A_40 = tpu.memref_slice %arg6[%dma_start3A_37, %dma_start3A_38, %dma_start3A_39] : memref<8x64x128xf32, #tpu.memory_space<vmem>> -> memref<1x64x128xf32, #tpu.memory_space<vmem>>
    %dma_start3A_41 = tpu.memref_squeeze %dma_start3A_40 : memref<1x64x128xf32, #tpu.memory_space<vmem>> -> memref<64x128xf32, #tpu.memory_space<vmem>>
    %dma_start3A_42 = arith.constant 192 : i32
    %dma_start3A_43 = tpu.memref_slice %arg5[%dma_start3A_42] : memref<512xi32, #tpu.memory_space<vmem>> -> memref<64xi32, #tpu.memory_space<vmem>>
    %dma_start3A_44 = arith.constant 0 : i32
    %dma_start3A_45 = arith.constant 0 : i32
    %dma_start3A_46 = tpu.memref_slice %arg7[%dma_start3A_44, %dma_start3A_45] : memref<100x128xf32, #tpu.memory_space<vmem_shared>> -> memref<100x128xf32, #tpu.memory_space<vmem_shared>>
    tpu.enqueue_indirect_dma source(%dma_start3A_46 : memref<100x128xf32, #tpu.memory_space<vmem_shared>>) target(%dma_start3A_41 : memref<64x128xf32, #tpu.memory_space<vmem>>) offsets(%dma_start3A_43 : memref<64xi32, #tpu.memory_space<vmem>>) semaphore(%arg11 : memref<!tpu.dma_semaphore, #tpu.memory_space<semaphore_mem>>)
    %dma_start3A_47 = arith.constant 4 : i32
    %dma_start3A_48 = arith.constant 0 : i32
    %dma_start3A_49 = arith.constant 0 : i32
    %dma_start3A_50 = tpu.memref_slice %arg6[%dma_start3A_47, %dma_start3A_48, %dma_start3A_49] : memref<8x64x128xf32, #tpu.memory_space<vmem>> -> memref<1x64x128xf32, #tpu.memory_space<vmem>>
    %dma_start3A_51 = tpu.memref_squeeze %dma_start3A_50 : memref<1x64x128xf32, #tpu.memory_space<vmem>> -> memref<64x128xf32, #tpu.memory_space<vmem>>
    %dma_start3A_52 = arith.constant 256 : i32
    %dma_start3A_53 = tpu.memref_slice %arg5[%dma_start3A_52] : memref<512xi32, #tpu.memory_space<vmem>> -> memref<64xi32, #tpu.memory_space<vmem>>
    %dma_start3A_54 = arith.constant 0 : i32
    %dma_start3A_55 = arith.constant 0 : i32
    %dma_start3A_56 = tpu.memref_slice %arg7[%dma_start3A_54, %dma_start3A_55] : memref<100x128xf32, #tpu.memory_space<vmem_shared>> -> memref<100x128xf32, #tpu.memory_space<vmem_shared>>
    tpu.enqueue_indirect_dma source(%dma_start3A_56 : memref<100x128xf32, #tpu.memory_space<vmem_shared>>) target(%dma_start3A_51 : memref<64x128xf32, #tpu.memory_space<vmem>>) offsets(%dma_start3A_53 : memref<64xi32, #tpu.memory_space<vmem>>) semaphore(%arg12 : memref<!tpu.dma_semaphore, #tpu.memory_space<semaphore_mem>>)
    %dma_start3A_57 = arith.constant 5 : i32
    %dma_start3A_58 = arith.constant 0 : i32
    %dma_start3A_59 = arith.constant 0 : i32
    %dma_start3A_60 = tpu.memref_slice %arg6[%dma_start3A_57, %dma_start3A_58, %dma_start3A_59] : memref<8x64x128xf32, #tpu.memory_space<vmem>> -> memref<1x64x128xf32, #tpu.memory_space<vmem>>
    %dma_start3A_61 = tpu.memref_squeeze %dma_start3A_60 : memref<1x64x128xf32, #tpu.memory_space<vmem>> -> memref<64x128xf32, #tpu.memory_space<vmem>>
    %dma_start3A_62 = arith.constant 320 : i32
    %dma_start3A_63 = tpu.memref_slice %arg5[%dma_start3A_62] : memref<512xi32, #tpu.memory_space<vmem>> -> memref<64xi32, #tpu.memory_space<vmem>>
    %dma_start3A_64 = arith.constant 0 : i32
    %dma_start3A_65 = arith.constant 0 : i32
    %dma_start3A_66 = tpu.memref_slice %arg7[%dma_start3A_64, %dma_start3A_65] : memref<100x128xf32, #tpu.memory_space<vmem_shared>> -> memref<100x128xf32, #tpu.memory_space<vmem_shared>>
    tpu.enqueue_indirect_dma source(%dma_start3A_66 : memref<100x128xf32, #tpu.memory_space<vmem_shared>>) target(%dma_start3A_61 : memref<64x128xf32, #tpu.memory_space<vmem>>) offsets(%dma_start3A_63 : memref<64xi32, #tpu.memory_space<vmem>>) semaphore(%arg13 : memref<!tpu.dma_semaphore, #tpu.memory_space<semaphore_mem>>)
    %dma_start3A_67 = arith.constant 6 : i32
    %dma_start3A_68 = arith.constant 0 : i32
    %dma_start3A_69 = arith.constant 0 : i32
    %dma_start3A_70 = tpu.memref_slice %arg6[%dma_start3A_67, %dma_start3A_68, %dma_start3A_69] : memref<8x64x128xf32, #tpu.memory_space<vmem>> -> memref<1x64x128xf32, #tpu.memory_space<vmem>>
    %dma_start3A_71 = tpu.memref_squeeze %dma_start3A_70 : memref<1x64x128xf32, #tpu.memory_space<vmem>> -> memref<64x128xf32, #tpu.memory_space<vmem>>
    %dma_start3A_72 = arith.constant 384 : i32
    %dma_start3A_73 = tpu.memref_slice %arg5[%dma_start3A_72] : memref<512xi32, #tpu.memory_space<vmem>> -> memref<64xi32, #tpu.memory_space<vmem>>
    %dma_start3A_74 = arith.constant 0 : i32
    %dma_start3A_75 = arith.constant 0 : i32
    %dma_start3A_76 = tpu.memref_slice %arg7[%dma_start3A_74, %dma_start3A_75] : memref<100x128xf32, #tpu.memory_space<vmem_shared>> -> memref<100x128xf32, #tpu.memory_space<vmem_shared>>
    tpu.enqueue_indirect_dma source(%dma_start3A_76 : memref<100x128xf32, #tpu.memory_space<vmem_shared>>) target(%dma_start3A_71 : memref<64x128xf32, #tpu.memory_space<vmem>>) offsets(%dma_start3A_73 : memref<64xi32, #tpu.memory_space<vmem>>) semaphore(%arg14 : memref<!tpu.dma_semaphore, #tpu.memory_space<semaphore_mem>>)
    %dma_start3A_77 = arith.constant 7 : i32
    %dma_start3A_78 = arith.constant 0 : i32
    %dma_start3A_79 = arith.constant 0 : i32
    %dma_start3A_80 = tpu.memref_slice %arg6[%dma_start3A_77, %dma_start3A_78, %dma_start3A_79] : memref<8x64x128xf32, #tpu.memory_space<vmem>> -> memref<1x64x128xf32, #tpu.memory_space<vmem>>
    %dma_start3A_81 = tpu.memref_squeeze %dma_start3A_80 : memref<1x64x128xf32, #tpu.memory_space<vmem>> -> memref<64x128xf32, #tpu.memory_space<vmem>>
    %dma_start3A_82 = arith.constant 448 : i32
    %dma_start3A_83 = tpu.memref_slice %arg5[%dma_start3A_82] : memref<512xi32, #tpu.memory_space<vmem>> -> memref<64xi32, #tpu.memory_space<vmem>>
    %dma_start3A_84 = arith.constant 0 : i32
    %dma_start3A_85 = arith.constant 0 : i32
    %dma_start3A_86 = tpu.memref_slice %arg7[%dma_start3A_84, %dma_start3A_85] : memref<100x128xf32, #tpu.memory_space<vmem_shared>> -> memref<100x128xf32, #tpu.memory_space<vmem_shared>>
    tpu.enqueue_indirect_dma source(%dma_start3A_86 : memref<100x128xf32, #tpu.memory_space<vmem_shared>>) target(%dma_start3A_81 : memref<64x128xf32, #tpu.memory_space<vmem>>) offsets(%dma_start3A_83 : memref<64xi32, #tpu.memory_space<vmem>>) semaphore(%arg15 : memref<!tpu.dma_semaphore, #tpu.memory_space<semaphore_mem>>)
    %dma_wait3A_87 = arith.constant 0 : i32
    %dma_wait3A_88 = arith.constant 0 : i32
    %dma_wait3A_89 = arith.constant 0 : i32
    %dma_wait3A_90 = tpu.memref_slice %arg6[%dma_wait3A_87, %dma_wait3A_88, %dma_wait3A_89] : memref<8x64x128xf32, #tpu.memory_space<vmem>> -> memref<1x64x128xf32, #tpu.memory_space<vmem>>
    %dma_wait3A_91 = tpu.memref_squeeze %dma_wait3A_90 : memref<1x64x128xf32, #tpu.memory_space<vmem>> -> memref<64x128xf32, #tpu.memory_space<vmem>>
    %dma_wait3A_92 = arith.constant 0 : i32
    %dma_wait3A_93 = tpu.memref_slice %arg5[%dma_wait3A_92] : memref<512xi32, #tpu.memory_space<vmem>> -> memref<64xi32, #tpu.memory_space<vmem>>
    %dma_wait3A_94 = arith.constant 0 : i32
    %dma_wait3A_95 = arith.constant 0 : i32
    %dma_wait3A_96 = tpu.memref_slice %arg7[%dma_wait3A_94, %dma_wait3A_95] : memref<100x128xf32, #tpu.memory_space<vmem_shared>> -> memref<100x128xf32, #tpu.memory_space<vmem_shared>>
    tpu.wait_indirect_dma semaphore(%arg8 : memref<!tpu.dma_semaphore, #tpu.memory_space<semaphore_mem>>) src(%dma_wait3A_96 : memref<100x128xf32, #tpu.memory_space<vmem_shared>>) dst(%dma_wait3A_91 : memref<64x128xf32, #tpu.memory_space<vmem>>)
    %add3A_97 = arith.constant 0 : i32
    %add3A_98 = arith.addi %mul3A_2, %add3A_97 : i32
    %dma_start3A_99 = arith.constant 0 : i32
    %dma_start3A_100 = arith.constant 0 : i32
    %dma_start3A_101 = arith.constant 0 : i32
    %dma_start3A_102 = tpu.memref_slice %arg6[%dma_start3A_99, %dma_start3A_100, %dma_start3A_101] : memref<8x64x128xf32, #tpu.memory_space<vmem>> -> memref<1x64x128xf32, #tpu.memory_space<vmem>>
    %dma_start3A_103 = tpu.memref_squeeze %dma_start3A_102 : memref<1x64x128xf32, #tpu.memory_space<vmem>> -> memref<64x128xf32, #tpu.memory_space<vmem>>
    %dma_start3A_104 = arith.constant 0 : i32
    %dma_start3A_105 = tpu.memref_slice %arg4[%add3A_98, %dma_start3A_104] : memref<16384x128xf32, #tpu.memory_space<hbm>> -> memref<64x128xf32, #tpu.memory_space<hbm>>
    %dma_start3A_106 = arith.constant 0 : i32
    %dma_start3A_107 = tpu.memref_slice %arg4[%add3A_98, %dma_start3A_106] : memref<16384x128xf32, #tpu.memory_space<hbm>> -> memref<64x128xf32, #tpu.memory_space<hbm>>
    %dma_start3A_108 = arith.constant 0 : i32
    %dma_start3A_109 = arith.constant 0 : i32
    %dma_start3A_110 = tpu.memref_slice %arg6[%dma_start3A_99, %dma_start3A_108, %dma_start3A_109] : memref<8x64x128xf32, #tpu.memory_space<vmem>> -> memref<1x64x128xf32, #tpu.memory_space<vmem>>
    %dma_start3A_111 = tpu.memref_squeeze %dma_start3A_110 : memref<1x64x128xf32, #tpu.memory_space<vmem>> -> memref<64x128xf32, #tpu.memory_space<vmem>>
    tpu.enqueue_dma source(%dma_start3A_111 : memref<64x128xf32, #tpu.memory_space<vmem>>) target(%dma_start3A_107 : memref<64x128xf32, #tpu.memory_space<hbm>>) target_semaphore(%arg16 : memref<!tpu.dma_semaphore, #tpu.memory_space<semaphore_mem>>)
    %dma_wait3A_112 = arith.constant 1 : i32
    %dma_wait3A_113 = arith.constant 0 : i32
    %dma_wait3A_114 = arith.constant 0 : i32
    %dma_wait3A_115 = tpu.memref_slice %arg6[%dma_wait3A_112, %dma_wait3A_113, %dma_wait3A_114] : memref<8x64x128xf32, #tpu.memory_space<vmem>> -> memref<1x64x128xf32, #tpu.memory_space<vmem>>
    %dma_wait3A_116 = tpu.memref_squeeze %dma_wait3A_115 : memref<1x64x128xf32, #tpu.memory_space<vmem>> -> memref<64x128xf32, #tpu.memory_space<vmem>>
    %dma_wait3A_117 = arith.constant 64 : i32
    %dma_wait3A_118 = tpu.memref_slice %arg5[%dma_wait3A_117] : memref<512xi32, #tpu.memory_space<vmem>> -> memref<64xi32, #tpu.memory_space<vmem>>
    %dma_wait3A_119 = arith.constant 0 : i32
    %dma_wait3A_120 = arith.constant 0 : i32
    %dma_wait3A_121 = tpu.memref_slice %arg7[%dma_wait3A_119, %dma_wait3A_120] : memref<100x128xf32, #tpu.memory_space<vmem_shared>> -> memref<100x128xf32, #tpu.memory_space<vmem_shared>>
    tpu.wait_indirect_dma semaphore(%arg9 : memref<!tpu.dma_semaphore, #tpu.memory_space<semaphore_mem>>) src(%dma_wait3A_121 : memref<100x128xf32, #tpu.memory_space<vmem_shared>>) dst(%dma_wait3A_116 : memref<64x128xf32, #tpu.memory_space<vmem>>)
    %add3A_122 = arith.constant 64 : i32
    %add3A_123 = arith.addi %mul3A_2, %add3A_122 : i32
    %dma_start3A_124 = arith.constant 1 : i32
    %dma_start3A_125 = arith.constant 0 : i32
    %dma_start3A_126 = arith.constant 0 : i32
    %dma_start3A_127 = tpu.memref_slice %arg6[%dma_start3A_124, %dma_start3A_125, %dma_start3A_126] : memref<8x64x128xf32, #tpu.memory_space<vmem>> -> memref<1x64x128xf32, #tpu.memory_space<vmem>>
    %dma_start3A_128 = tpu.memref_squeeze %dma_start3A_127 : memref<1x64x128xf32, #tpu.memory_space<vmem>> -> memref<64x128xf32, #tpu.memory_space<vmem>>
    %dma_start3A_129 = arith.constant 0 : i32
    %dma_start3A_130 = tpu.memref_slice %arg4[%add3A_123, %dma_start3A_129] : memref<16384x128xf32, #tpu.memory_space<hbm>> -> memref<64x128xf32, #tpu.memory_space<hbm>>
    %dma_start3A_131 = arith.constant 0 : i32
    %dma_start3A_132 = tpu.memref_slice %arg4[%add3A_123, %dma_start3A_131] : memref<16384x128xf32, #tpu.memory_space<hbm>> -> memref<64x128xf32, #tpu.memory_space<hbm>>
    %dma_start3A_133 = arith.constant 0 : i32
    %dma_start3A_134 = arith.constant 0 : i32
    %dma_start3A_135 = tpu.memref_slice %arg6[%dma_start3A_124, %dma_start3A_133, %dma_start3A_134] : memref<8x64x128xf32, #tpu.memory_space<vmem>> -> memref<1x64x128xf32, #tpu.memory_space<vmem>>
    %dma_start3A_136 = tpu.memref_squeeze %dma_start3A_135 : memref<1x64x128xf32, #tpu.memory_space<vmem>> -> memref<64x128xf32, #tpu.memory_space<vmem>>
    tpu.enqueue_dma source(%dma_start3A_136 : memref<64x128xf32, #tpu.memory_space<vmem>>) target(%dma_start3A_132 : memref<64x128xf32, #tpu.memory_space<hbm>>) target_semaphore(%arg16 : memref<!tpu.dma_semaphore, #tpu.memory_space<semaphore_mem>>)
    %dma_wait3A_137 = arith.constant 2 : i32
    %dma_wait3A_138 = arith.constant 0 : i32
    %dma_wait3A_139 = arith.constant 0 : i32
    %dma_wait3A_140 = tpu.memref_slice %arg6[%dma_wait3A_137, %dma_wait3A_138, %dma_wait3A_139] : memref<8x64x128xf32, #tpu.memory_space<vmem>> -> memref<1x64x128xf32, #tpu.memory_space<vmem>>
    %dma_wait3A_141 = tpu.memref_squeeze %dma_wait3A_140 : memref<1x64x128xf32, #tpu.memory_space<vmem>> -> memref<64x128xf32, #tpu.memory_space<vmem>>
    %dma_wait3A_142 = arith.constant 128 : i32
    %dma_wait3A_143 = tpu.memref_slice %arg5[%dma_wait3A_142] : memref<512xi32, #tpu.memory_space<vmem>> -> memref<64xi32, #tpu.memory_space<vmem>>
    %dma_wait3A_144 = arith.constant 0 : i32
    %dma_wait3A_145 = arith.constant 0 : i32
    %dma_wait3A_146 = tpu.memref_slice %arg7[%dma_wait3A_144, %dma_wait3A_145] : memref<100x128xf32, #tpu.memory_space<vmem_shared>> -> memref<100x128xf32, #tpu.memory_space<vmem_shared>>
    tpu.wait_indirect_dma semaphore(%arg10 : memref<!tpu.dma_semaphore, #tpu.memory_space<semaphore_mem>>) src(%dma_wait3A_146 : memref<100x128xf32, #tpu.memory_space<vmem_shared>>) dst(%dma_wait3A_141 : memref<64x128xf32, #tpu.memory_space<vmem>>)
    %add3A_147 = arith.constant 128 : i32
    %add3A_148 = arith.addi %mul3A_2, %add3A_147 : i32
    %dma_start3A_149 = arith.constant 2 : i32
    %dma_start3A_150 = arith.constant 0 : i32
    %dma_start3A_151 = arith.constant 0 : i32
    %dma_start3A_152 = tpu.memref_slice %arg6[%dma_start3A_149, %dma_start3A_150, %dma_start3A_151] : memref<8x64x128xf32, #tpu.memory_space<vmem>> -> memref<1x64x128xf32, #tpu.memory_space<vmem>>
    %dma_start3A_153 = tpu.memref_squeeze %dma_start3A_152 : memref<1x64x128xf32, #tpu.memory_space<vmem>> -> memref<64x128xf32, #tpu.memory_space<vmem>>
    %dma_start3A_154 = arith.constant 0 : i32
    %dma_start3A_155 = tpu.memref_slice %arg4[%add3A_148, %dma_start3A_154] : memref<16384x128xf32, #tpu.memory_space<hbm>> -> memref<64x128xf32, #tpu.memory_space<hbm>>
    %dma_start3A_156 = arith.constant 0 : i32
    %dma_start3A_157 = tpu.memref_slice %arg4[%add3A_148, %dma_start3A_156] : memref<16384x128xf32, #tpu.memory_space<hbm>> -> memref<64x128xf32, #tpu.memory_space<hbm>>
    %dma_start3A_158 = arith.constant 0 : i32
    %dma_start3A_159 = arith.constant 0 : i32
    %dma_start3A_160 = tpu.memref_slice %arg6[%dma_start3A_149, %dma_start3A_158, %dma_start3A_159] : memref<8x64x128xf32, #tpu.memory_space<vmem>> -> memref<1x64x128xf32, #tpu.memory_space<vmem>>
    %dma_start3A_161 = tpu.memref_squeeze %dma_start3A_160 : memref<1x64x128xf32, #tpu.memory_space<vmem>> -> memref<64x128xf32, #tpu.memory_space<vmem>>
    tpu.enqueue_dma source(%dma_start3A_161 : memref<64x128xf32, #tpu.memory_space<vmem>>) target(%dma_start3A_157 : memref<64x128xf32, #tpu.memory_space<hbm>>) target_semaphore(%arg16 : memref<!tpu.dma_semaphore, #tpu.memory_space<semaphore_mem>>)
    %dma_wait3A_162 = arith.constant 3 : i32
    %dma_wait3A_163 = arith.constant 0 : i32
    %dma_wait3A_164 = arith.constant 0 : i32
    %dma_wait3A_165 = tpu.memref_slice %arg6[%dma_wait3A_162, %dma_wait3A_163, %dma_wait3A_164] : memref<8x64x128xf32, #tpu.memory_space<vmem>> -> memref<1x64x128xf32, #tpu.memory_space<vmem>>
    %dma_wait3A_166 = tpu.memref_squeeze %dma_wait3A_165 : memref<1x64x128xf32, #tpu.memory_space<vmem>> -> memref<64x128xf32, #tpu.memory_space<vmem>>
    %dma_wait3A_167 = arith.constant 192 : i32
    %dma_wait3A_168 = tpu.memref_slice %arg5[%dma_wait3A_167] : memref<512xi32, #tpu.memory_space<vmem>> -> memref<64xi32, #tpu.memory_space<vmem>>
    %dma_wait3A_169 = arith.constant 0 : i32
    %dma_wait3A_170 = arith.constant 0 : i32
    %dma_wait3A_171 = tpu.memref_slice %arg7[%dma_wait3A_169, %dma_wait3A_170] : memref<100x128xf32, #tpu.memory_space<vmem_shared>> -> memref<100x128xf32, #tpu.memory_space<vmem_shared>>
    tpu.wait_indirect_dma semaphore(%arg11 : memref<!tpu.dma_semaphore, #tpu.memory_space<semaphore_mem>>) src(%dma_wait3A_171 : memref<100x128xf32, #tpu.memory_space<vmem_shared>>) dst(%dma_wait3A_166 : memref<64x128xf32, #tpu.memory_space<vmem>>)
    %add3A_172 = arith.constant 192 : i32
    %add3A_173 = arith.addi %mul3A_2, %add3A_172 : i32
    %dma_start3A_174 = arith.constant 3 : i32
    %dma_start3A_175 = arith.constant 0 : i32
    %dma_start3A_176 = arith.constant 0 : i32
    %dma_start3A_177 = tpu.memref_slice %arg6[%dma_start3A_174, %dma_start3A_175, %dma_start3A_176] : memref<8x64x128xf32, #tpu.memory_space<vmem>> -> memref<1x64x128xf32, #tpu.memory_space<vmem>>
    %dma_start3A_178 = tpu.memref_squeeze %dma_start3A_177 : memref<1x64x128xf32, #tpu.memory_space<vmem>> -> memref<64x128xf32, #tpu.memory_space<vmem>>
    %dma_start3A_179 = arith.constant 0 : i32
    %dma_start3A_180 = tpu.memref_slice %arg4[%add3A_173, %dma_start3A_179] : memref<16384x128xf32, #tpu.memory_space<hbm>> -> memref<64x128xf32, #tpu.memory_space<hbm>>
    %dma_start3A_181 = arith.constant 0 : i32
    %dma_start3A_182 = tpu.memref_slice %arg4[%add3A_173, %dma_start3A_181] : memref<16384x128xf32, #tpu.memory_space<hbm>> -> memref<64x128xf32, #tpu.memory_space<hbm>>
    %dma_start3A_183 = arith.constant 0 : i32
    %dma_start3A_184 = arith.constant 0 : i32
    %dma_start3A_185 = tpu.memref_slice %arg6[%dma_start3A_174, %dma_start3A_183, %dma_start3A_184] : memref<8x64x128xf32, #tpu.memory_space<vmem>> -> memref<1x64x128xf32, #tpu.memory_space<vmem>>
    %dma_start3A_186 = tpu.memref_squeeze %dma_start3A_185 : memref<1x64x128xf32, #tpu.memory_space<vmem>> -> memref<64x128xf32, #tpu.memory_space<vmem>>
    tpu.enqueue_dma source(%dma_start3A_186 : memref<64x128xf32, #tpu.memory_space<vmem>>) target(%dma_start3A_182 : memref<64x128xf32, #tpu.memory_space<hbm>>) target_semaphore(%arg16 : memref<!tpu.dma_semaphore, #tpu.memory_space<semaphore_mem>>)
    %dma_wait3A_187 = arith.constant 4 : i32
    %dma_wait3A_188 = arith.constant 0 : i32
    %dma_wait3A_189 = arith.constant 0 : i32
    %dma_wait3A_190 = tpu.memref_slice %arg6[%dma_wait3A_187, %dma_wait3A_188, %dma_wait3A_189] : memref<8x64x128xf32, #tpu.memory_space<vmem>> -> memref<1x64x128xf32, #tpu.memory_space<vmem>>
    %dma_wait3A_191 = tpu.memref_squeeze %dma_wait3A_190 : memref<1x64x128xf32, #tpu.memory_space<vmem>> -> memref<64x128xf32, #tpu.memory_space<vmem>>
    %dma_wait3A_192 = arith.constant 256 : i32
    %dma_wait3A_193 = tpu.memref_slice %arg5[%dma_wait3A_192] : memref<512xi32, #tpu.memory_space<vmem>> -> memref<64xi32, #tpu.memory_space<vmem>>
    %dma_wait3A_194 = arith.constant 0 : i32
    %dma_wait3A_195 = arith.constant 0 : i32
    %dma_wait3A_196 = tpu.memref_slice %arg7[%dma_wait3A_194, %dma_wait3A_195] : memref<100x128xf32, #tpu.memory_space<vmem_shared>> -> memref<100x128xf32, #tpu.memory_space<vmem_shared>>
    tpu.wait_indirect_dma semaphore(%arg12 : memref<!tpu.dma_semaphore, #tpu.memory_space<semaphore_mem>>) src(%dma_wait3A_196 : memref<100x128xf32, #tpu.memory_space<vmem_shared>>) dst(%dma_wait3A_191 : memref<64x128xf32, #tpu.memory_space<vmem>>)
    %add3A_197 = arith.constant 256 : i32
    %add3A_198 = arith.addi %mul3A_2, %add3A_197 : i32
    %dma_start3A_199 = arith.constant 4 : i32
    %dma_start3A_200 = arith.constant 0 : i32
    %dma_start3A_201 = arith.constant 0 : i32
    %dma_start3A_202 = tpu.memref_slice %arg6[%dma_start3A_199, %dma_start3A_200, %dma_start3A_201] : memref<8x64x128xf32, #tpu.memory_space<vmem>> -> memref<1x64x128xf32, #tpu.memory_space<vmem>>
    %dma_start3A_203 = tpu.memref_squeeze %dma_start3A_202 : memref<1x64x128xf32, #tpu.memory_space<vmem>> -> memref<64x128xf32, #tpu.memory_space<vmem>>
    %dma_start3A_204 = arith.constant 0 : i32
    %dma_start3A_205 = tpu.memref_slice %arg4[%add3A_198, %dma_start3A_204] : memref<16384x128xf32, #tpu.memory_space<hbm>> -> memref<64x128xf32, #tpu.memory_space<hbm>>
    %dma_start3A_206 = arith.constant 0 : i32
    %dma_start3A_207 = tpu.memref_slice %arg4[%add3A_198, %dma_start3A_206] : memref<16384x128xf32, #tpu.memory_space<hbm>> -> memref<64x128xf32, #tpu.memory_space<hbm>>
    %dma_start3A_208 = arith.constant 0 : i32
    %dma_start3A_209 = arith.constant 0 : i32
    %dma_start3A_210 = tpu.memref_slice %arg6[%dma_start3A_199, %dma_start3A_208, %dma_start3A_209] : memref<8x64x128xf32, #tpu.memory_space<vmem>> -> memref<1x64x128xf32, #tpu.memory_space<vmem>>
    %dma_start3A_211 = tpu.memref_squeeze %dma_start3A_210 : memref<1x64x128xf32, #tpu.memory_space<vmem>> -> memref<64x128xf32, #tpu.memory_space<vmem>>
    tpu.enqueue_dma source(%dma_start3A_211 : memref<64x128xf32, #tpu.memory_space<vmem>>) target(%dma_start3A_207 : memref<64x128xf32, #tpu.memory_space<hbm>>) target_semaphore(%arg16 : memref<!tpu.dma_semaphore, #tpu.memory_space<semaphore_mem>>)
    %dma_wait3A_212 = arith.constant 5 : i32
    %dma_wait3A_213 = arith.constant 0 : i32
    %dma_wait3A_214 = arith.constant 0 : i32
    %dma_wait3A_215 = tpu.memref_slice %arg6[%dma_wait3A_212, %dma_wait3A_213, %dma_wait3A_214] : memref<8x64x128xf32, #tpu.memory_space<vmem>> -> memref<1x64x128xf32, #tpu.memory_space<vmem>>
    %dma_wait3A_216 = tpu.memref_squeeze %dma_wait3A_215 : memref<1x64x128xf32, #tpu.memory_space<vmem>> -> memref<64x128xf32, #tpu.memory_space<vmem>>
    %dma_wait3A_217 = arith.constant 320 : i32
    %dma_wait3A_218 = tpu.memref_slice %arg5[%dma_wait3A_217] : memref<512xi32, #tpu.memory_space<vmem>> -> memref<64xi32, #tpu.memory_space<vmem>>
    %dma_wait3A_219 = arith.constant 0 : i32
    %dma_wait3A_220 = arith.constant 0 : i32
    %dma_wait3A_221 = tpu.memref_slice %arg7[%dma_wait3A_219, %dma_wait3A_220] : memref<100x128xf32, #tpu.memory_space<vmem_shared>> -> memref<100x128xf32, #tpu.memory_space<vmem_shared>>
    tpu.wait_indirect_dma semaphore(%arg13 : memref<!tpu.dma_semaphore, #tpu.memory_space<semaphore_mem>>) src(%dma_wait3A_221 : memref<100x128xf32, #tpu.memory_space<vmem_shared>>) dst(%dma_wait3A_216 : memref<64x128xf32, #tpu.memory_space<vmem>>)
    %add3A_222 = arith.constant 320 : i32
    %add3A_223 = arith.addi %mul3A_2, %add3A_222 : i32
    %dma_start3A_224 = arith.constant 5 : i32
    %dma_start3A_225 = arith.constant 0 : i32
    %dma_start3A_226 = arith.constant 0 : i32
    %dma_start3A_227 = tpu.memref_slice %arg6[%dma_start3A_224, %dma_start3A_225, %dma_start3A_226] : memref<8x64x128xf32, #tpu.memory_space<vmem>> -> memref<1x64x128xf32, #tpu.memory_space<vmem>>
    %dma_start3A_228 = tpu.memref_squeeze %dma_start3A_227 : memref<1x64x128xf32, #tpu.memory_space<vmem>> -> memref<64x128xf32, #tpu.memory_space<vmem>>
    %dma_start3A_229 = arith.constant 0 : i32
    %dma_start3A_230 = tpu.memref_slice %arg4[%add3A_223, %dma_start3A_229] : memref<16384x128xf32, #tpu.memory_space<hbm>> -> memref<64x128xf32, #tpu.memory_space<hbm>>
    %dma_start3A_231 = arith.constant 0 : i32
    %dma_start3A_232 = tpu.memref_slice %arg4[%add3A_223, %dma_start3A_231] : memref<16384x128xf32, #tpu.memory_space<hbm>> -> memref<64x128xf32, #tpu.memory_space<hbm>>
    %dma_start3A_233 = arith.constant 0 : i32
    %dma_start3A_234 = arith.constant 0 : i32
    %dma_start3A_235 = tpu.memref_slice %arg6[%dma_start3A_224, %dma_start3A_233, %dma_start3A_234] : memref<8x64x128xf32, #tpu.memory_space<vmem>> -> memref<1x64x128xf32, #tpu.memory_space<vmem>>
    %dma_start3A_236 = tpu.memref_squeeze %dma_start3A_235 : memref<1x64x128xf32, #tpu.memory_space<vmem>> -> memref<64x128xf32, #tpu.memory_space<vmem>>
    tpu.enqueue_dma source(%dma_start3A_236 : memref<64x128xf32, #tpu.memory_space<vmem>>) target(%dma_start3A_232 : memref<64x128xf32, #tpu.memory_space<hbm>>) target_semaphore(%arg16 : memref<!tpu.dma_semaphore, #tpu.memory_space<semaphore_mem>>)
    %dma_wait3A_237 = arith.constant 6 : i32
    %dma_wait3A_238 = arith.constant 0 : i32
    %dma_wait3A_239 = arith.constant 0 : i32
    %dma_wait3A_240 = tpu.memref_slice %arg6[%dma_wait3A_237, %dma_wait3A_238, %dma_wait3A_239] : memref<8x64x128xf32, #tpu.memory_space<vmem>> -> memref<1x64x128xf32, #tpu.memory_space<vmem>>
    %dma_wait3A_241 = tpu.memref_squeeze %dma_wait3A_240 : memref<1x64x128xf32, #tpu.memory_space<vmem>> -> memref<64x128xf32, #tpu.memory_space<vmem>>
    %dma_wait3A_242 = arith.constant 384 : i32
    %dma_wait3A_243 = tpu.memref_slice %arg5[%dma_wait3A_242] : memref<512xi32, #tpu.memory_space<vmem>> -> memref<64xi32, #tpu.memory_space<vmem>>
    %dma_wait3A_244 = arith.constant 0 : i32
    %dma_wait3A_245 = arith.constant 0 : i32
    %dma_wait3A_246 = tpu.memref_slice %arg7[%dma_wait3A_244, %dma_wait3A_245] : memref<100x128xf32, #tpu.memory_space<vmem_shared>> -> memref<100x128xf32, #tpu.memory_space<vmem_shared>>
    tpu.wait_indirect_dma semaphore(%arg14 : memref<!tpu.dma_semaphore, #tpu.memory_space<semaphore_mem>>) src(%dma_wait3A_246 : memref<100x128xf32, #tpu.memory_space<vmem_shared>>) dst(%dma_wait3A_241 : memref<64x128xf32, #tpu.memory_space<vmem>>)
    %add3A_247 = arith.constant 384 : i32
    %add3A_248 = arith.addi %mul3A_2, %add3A_247 : i32
    %dma_start3A_249 = arith.constant 6 : i32
    %dma_start3A_250 = arith.constant 0 : i32
    %dma_start3A_251 = arith.constant 0 : i32
    %dma_start3A_252 = tpu.memref_slice %arg6[%dma_start3A_249, %dma_start3A_250, %dma_start3A_251] : memref<8x64x128xf32, #tpu.memory_space<vmem>> -> memref<1x64x128xf32, #tpu.memory_space<vmem>>
    %dma_start3A_253 = tpu.memref_squeeze %dma_start3A_252 : memref<1x64x128xf32, #tpu.memory_space<vmem>> -> memref<64x128xf32, #tpu.memory_space<vmem>>
    %dma_start3A_254 = arith.constant 0 : i32
    %dma_start3A_255 = tpu.memref_slice %arg4[%add3A_248, %dma_start3A_254] : memref<16384x128xf32, #tpu.memory_space<hbm>> -> memref<64x128xf32, #tpu.memory_space<hbm>>
    %dma_start3A_256 = arith.constant 0 : i32
    %dma_start3A_257 = tpu.memref_slice %arg4[%add3A_248, %dma_start3A_256] : memref<16384x128xf32, #tpu.memory_space<hbm>> -> memref<64x128xf32, #tpu.memory_space<hbm>>
    %dma_start3A_258 = arith.constant 0 : i32
    %dma_start3A_259 = arith.constant 0 : i32
    %dma_start3A_260 = tpu.memref_slice %arg6[%dma_start3A_249, %dma_start3A_258, %dma_start3A_259] : memref<8x64x128xf32, #tpu.memory_space<vmem>> -> memref<1x64x128xf32, #tpu.memory_space<vmem>>
    %dma_start3A_261 = tpu.memref_squeeze %dma_start3A_260 : memref<1x64x128xf32, #tpu.memory_space<vmem>> -> memref<64x128xf32, #tpu.memory_space<vmem>>
    tpu.enqueue_dma source(%dma_start3A_261 : memref<64x128xf32, #tpu.memory_space<vmem>>) target(%dma_start3A_257 : memref<64x128xf32, #tpu.memory_space<hbm>>) target_semaphore(%arg16 : memref<!tpu.dma_semaphore, #tpu.memory_space<semaphore_mem>>)
    %dma_wait3A_262 = arith.constant 7 : i32
    %dma_wait3A_263 = arith.constant 0 : i32
    %dma_wait3A_264 = arith.constant 0 : i32
    %dma_wait3A_265 = tpu.memref_slice %arg6[%dma_wait3A_262, %dma_wait3A_263, %dma_wait3A_264] : memref<8x64x128xf32, #tpu.memory_space<vmem>> -> memref<1x64x128xf32, #tpu.memory_space<vmem>>
    %dma_wait3A_266 = tpu.memref_squeeze %dma_wait3A_265 : memref<1x64x128xf32, #tpu.memory_space<vmem>> -> memref<64x128xf32, #tpu.memory_space<vmem>>
    %dma_wait3A_267 = arith.constant 448 : i32
    %dma_wait3A_268 = tpu.memref_slice %arg5[%dma_wait3A_267] : memref<512xi32, #tpu.memory_space<vmem>> -> memref<64xi32, #tpu.memory_space<vmem>>
    %dma_wait3A_269 = arith.constant 0 : i32
    %dma_wait3A_270 = arith.constant 0 : i32
    %dma_wait3A_271 = tpu.memref_slice %arg7[%dma_wait3A_269, %dma_wait3A_270] : memref<100x128xf32, #tpu.memory_space<vmem_shared>> -> memref<100x128xf32, #tpu.memory_space<vmem_shared>>
    tpu.wait_indirect_dma semaphore(%arg15 : memref<!tpu.dma_semaphore, #tpu.memory_space<semaphore_mem>>) src(%dma_wait3A_271 : memref<100x128xf32, #tpu.memory_space<vmem_shared>>) dst(%dma_wait3A_266 : memref<64x128xf32, #tpu.memory_space<vmem>>)
    %add3A_272 = arith.constant 448 : i32
    %add3A_273 = arith.addi %mul3A_2, %add3A_272 : i32
    %dma_start3A_274 = arith.constant 7 : i32
    %dma_start3A_275 = arith.constant 0 : i32
    %dma_start3A_276 = arith.constant 0 : i32
    %dma_start3A_277 = tpu.memref_slice %arg6[%dma_start3A_274, %dma_start3A_275, %dma_start3A_276] : memref<8x64x128xf32, #tpu.memory_space<vmem>> -> memref<1x64x128xf32, #tpu.memory_space<vmem>>
    %dma_start3A_278 = tpu.memref_squeeze %dma_start3A_277 : memref<1x64x128xf32, #tpu.memory_space<vmem>> -> memref<64x128xf32, #tpu.memory_space<vmem>>
    %dma_start3A_279 = arith.constant 0 : i32
    %dma_start3A_280 = tpu.memref_slice %arg4[%add3A_273, %dma_start3A_279] : memref<16384x128xf32, #tpu.memory_space<hbm>> -> memref<64x128xf32, #tpu.memory_space<hbm>>
    %dma_start3A_281 = arith.constant 0 : i32
    %dma_start3A_282 = tpu.memref_slice %arg4[%add3A_273, %dma_start3A_281] : memref<16384x128xf32, #tpu.memory_space<hbm>> -> memref<64x128xf32, #tpu.memory_space<hbm>>
    %dma_start3A_283 = arith.constant 0 : i32
    %dma_start3A_284 = arith.constant 0 : i32
    %dma_start3A_285 = tpu.memref_slice %arg6[%dma_start3A_274, %dma_start3A_283, %dma_start3A_284] : memref<8x64x128xf32, #tpu.memory_space<vmem>> -> memref<1x64x128xf32, #tpu.memory_space<vmem>>
    %dma_start3A_286 = tpu.memref_squeeze %dma_start3A_285 : memref<1x64x128xf32, #tpu.memory_space<vmem>> -> memref<64x128xf32, #tpu.memory_space<vmem>>
    tpu.enqueue_dma source(%dma_start3A_286 : memref<64x128xf32, #tpu.memory_space<vmem>>) target(%dma_start3A_282 : memref<64x128xf32, #tpu.memory_space<hbm>>) target_semaphore(%arg16 : memref<!tpu.dma_semaphore, #tpu.memory_space<semaphore_mem>>)
    %dma_wait3A_287 = arith.constant 0 : i32
    %dma_wait3A_288 = arith.constant 0 : i32
    %dma_wait3A_289 = arith.constant 0 : i32
    %dma_wait3A_290 = tpu.memref_slice %arg6[%dma_wait3A_287, %dma_wait3A_288, %dma_wait3A_289] : memref<8x64x128xf32, #tpu.memory_space<vmem>> -> memref<1x64x128xf32, #tpu.memory_space<vmem>>
    %dma_wait3A_291 = tpu.memref_squeeze %dma_wait3A_290 : memref<1x64x128xf32, #tpu.memory_space<vmem>> -> memref<64x128xf32, #tpu.memory_space<vmem>>
    %dma_wait3A_292 = arith.constant 0 : i32
    %dma_wait3A_293 = tpu.memref_slice %arg4[%add3A_98, %dma_wait3A_292] : memref<16384x128xf32, #tpu.memory_space<hbm>> -> memref<64x128xf32, #tpu.memory_space<hbm>>
    %dma_wait3A_294 = arith.constant 0 : i32
    %dma_wait3A_295 = tpu.memref_slice %arg4[%add3A_98, %dma_wait3A_294] : memref<16384x128xf32, #tpu.memory_space<hbm>> -> memref<64x128xf32, #tpu.memory_space<hbm>>
    %dma_wait3A_296 = arith.constant 0 : i32
    %dma_wait3A_297 = arith.constant 0 : i32
    %dma_wait3A_298 = tpu.memref_slice %arg6[%dma_wait3A_287, %dma_wait3A_296, %dma_wait3A_297] : memref<8x64x128xf32, #tpu.memory_space<vmem>> -> memref<1x64x128xf32, #tpu.memory_space<vmem>>
    %dma_wait3A_299 = tpu.memref_squeeze %dma_wait3A_298 : memref<1x64x128xf32, #tpu.memory_space<vmem>> -> memref<64x128xf32, #tpu.memory_space<vmem>>
    tpu.wait_dma2 semaphore(%arg16 : memref<!tpu.dma_semaphore, #tpu.memory_space<semaphore_mem>>) src(%dma_wait3A_299 : memref<64x128xf32, #tpu.memory_space<vmem>>) dst(%dma_wait3A_295 : memref<64x128xf32, #tpu.memory_space<hbm>>)
    %dma_wait3A_300 = arith.constant 1 : i32
    %dma_wait3A_301 = arith.constant 0 : i32
    %dma_wait3A_302 = arith.constant 0 : i32
    %dma_wait3A_303 = tpu.memref_slice %arg6[%dma_wait3A_300, %dma_wait3A_301, %dma_wait3A_302] : memref<8x64x128xf32, #tpu.memory_space<vmem>> -> memref<1x64x128xf32, #tpu.memory_space<vmem>>
    %dma_wait3A_304 = tpu.memref_squeeze %dma_wait3A_303 : memref<1x64x128xf32, #tpu.memory_space<vmem>> -> memref<64x128xf32, #tpu.memory_space<vmem>>
    %dma_wait3A_305 = arith.constant 0 : i32
    %dma_wait3A_306 = tpu.memref_slice %arg4[%add3A_123, %dma_wait3A_305] : memref<16384x128xf32, #tpu.memory_space<hbm>> -> memref<64x128xf32, #tpu.memory_space<hbm>>
    %dma_wait3A_307 = arith.constant 0 : i32
    %dma_wait3A_308 = tpu.memref_slice %arg4[%add3A_123, %dma_wait3A_307] : memref<16384x128xf32, #tpu.memory_space<hbm>> -> memref<64x128xf32, #tpu.memory_space<hbm>>
    %dma_wait3A_309 = arith.constant 0 : i32
    %dma_wait3A_310 = arith.constant 0 : i32
    %dma_wait3A_311 = tpu.memref_slice %arg6[%dma_wait3A_300, %dma_wait3A_309, %dma_wait3A_310] : memref<8x64x128xf32, #tpu.memory_space<vmem>> -> memref<1x64x128xf32, #tpu.memory_space<vmem>>
    %dma_wait3A_312 = tpu.memref_squeeze %dma_wait3A_311 : memref<1x64x128xf32, #tpu.memory_space<vmem>> -> memref<64x128xf32, #tpu.memory_space<vmem>>
    tpu.wait_dma2 semaphore(%arg16 : memref<!tpu.dma_semaphore, #tpu.memory_space<semaphore_mem>>) src(%dma_wait3A_312 : memref<64x128xf32, #tpu.memory_space<vmem>>) dst(%dma_wait3A_308 : memref<64x128xf32, #tpu.memory_space<hbm>>)
    %dma_wait3A_313 = arith.constant 2 : i32
    %dma_wait3A_314 = arith.constant 0 : i32
    %dma_wait3A_315 = arith.constant 0 : i32
    %dma_wait3A_316 = tpu.memref_slice %arg6[%dma_wait3A_313, %dma_wait3A_314, %dma_wait3A_315] : memref<8x64x128xf32, #tpu.memory_space<vmem>> -> memref<1x64x128xf32, #tpu.memory_space<vmem>>
    %dma_wait3A_317 = tpu.memref_squeeze %dma_wait3A_316 : memref<1x64x128xf32, #tpu.memory_space<vmem>> -> memref<64x128xf32, #tpu.memory_space<vmem>>
    %dma_wait3A_318 = arith.constant 0 : i32
    %dma_wait3A_319 = tpu.memref_slice %arg4[%add3A_148, %dma_wait3A_318] : memref<16384x128xf32, #tpu.memory_space<hbm>> -> memref<64x128xf32, #tpu.memory_space<hbm>>
    %dma_wait3A_320 = arith.constant 0 : i32
    %dma_wait3A_321 = tpu.memref_slice %arg4[%add3A_148, %dma_wait3A_320] : memref<16384x128xf32, #tpu.memory_space<hbm>> -> memref<64x128xf32, #tpu.memory_space<hbm>>
    %dma_wait3A_322 = arith.constant 0 : i32
    %dma_wait3A_323 = arith.constant 0 : i32
    %dma_wait3A_324 = tpu.memref_slice %arg6[%dma_wait3A_313, %dma_wait3A_322, %dma_wait3A_323] : memref<8x64x128xf32, #tpu.memory_space<vmem>> -> memref<1x64x128xf32, #tpu.memory_space<vmem>>
    %dma_wait3A_325 = tpu.memref_squeeze %dma_wait3A_324 : memref<1x64x128xf32, #tpu.memory_space<vmem>> -> memref<64x128xf32, #tpu.memory_space<vmem>>
    tpu.wait_dma2 semaphore(%arg16 : memref<!tpu.dma_semaphore, #tpu.memory_space<semaphore_mem>>) src(%dma_wait3A_325 : memref<64x128xf32, #tpu.memory_space<vmem>>) dst(%dma_wait3A_321 : memref<64x128xf32, #tpu.memory_space<hbm>>)
    %dma_wait3A_326 = arith.constant 3 : i32
    %dma_wait3A_327 = arith.constant 0 : i32
    %dma_wait3A_328 = arith.constant 0 : i32
    %dma_wait3A_329 = tpu.memref_slice %arg6[%dma_wait3A_326, %dma_wait3A_327, %dma_wait3A_328] : memref<8x64x128xf32, #tpu.memory_space<vmem>> -> memref<1x64x128xf32, #tpu.memory_space<vmem>>
    %dma_wait3A_330 = tpu.memref_squeeze %dma_wait3A_329 : memref<1x64x128xf32, #tpu.memory_space<vmem>> -> memref<64x128xf32, #tpu.memory_space<vmem>>
    %dma_wait3A_331 = arith.constant 0 : i32
    %dma_wait3A_332 = tpu.memref_slice %arg4[%add3A_173, %dma_wait3A_331] : memref<16384x128xf32, #tpu.memory_space<hbm>> -> memref<64x128xf32, #tpu.memory_space<hbm>>
    %dma_wait3A_333 = arith.constant 0 : i32
    %dma_wait3A_334 = tpu.memref_slice %arg4[%add3A_173, %dma_wait3A_333] : memref<16384x128xf32, #tpu.memory_space<hbm>> -> memref<64x128xf32, #tpu.memory_space<hbm>>
    %dma_wait3A_335 = arith.constant 0 : i32
    %dma_wait3A_336 = arith.constant 0 : i32
    %dma_wait3A_337 = tpu.memref_slice %arg6[%dma_wait3A_326, %dma_wait3A_335, %dma_wait3A_336] : memref<8x64x128xf32, #tpu.memory_space<vmem>> -> memref<1x64x128xf32, #tpu.memory_space<vmem>>
    %dma_wait3A_338 = tpu.memref_squeeze %dma_wait3A_337 : memref<1x64x128xf32, #tpu.memory_space<vmem>> -> memref<64x128xf32, #tpu.memory_space<vmem>>
    tpu.wait_dma2 semaphore(%arg16 : memref<!tpu.dma_semaphore, #tpu.memory_space<semaphore_mem>>) src(%dma_wait3A_338 : memref<64x128xf32, #tpu.memory_space<vmem>>) dst(%dma_wait3A_334 : memref<64x128xf32, #tpu.memory_space<hbm>>)
    %dma_wait3A_339 = arith.constant 4 : i32
    %dma_wait3A_340 = arith.constant 0 : i32
    %dma_wait3A_341 = arith.constant 0 : i32
    %dma_wait3A_342 = tpu.memref_slice %arg6[%dma_wait3A_339, %dma_wait3A_340, %dma_wait3A_341] : memref<8x64x128xf32, #tpu.memory_space<vmem>> -> memref<1x64x128xf32, #tpu.memory_space<vmem>>
    %dma_wait3A_343 = tpu.memref_squeeze %dma_wait3A_342 : memref<1x64x128xf32, #tpu.memory_space<vmem>> -> memref<64x128xf32, #tpu.memory_space<vmem>>
    %dma_wait3A_344 = arith.constant 0 : i32
    %dma_wait3A_345 = tpu.memref_slice %arg4[%add3A_198, %dma_wait3A_344] : memref<16384x128xf32, #tpu.memory_space<hbm>> -> memref<64x128xf32, #tpu.memory_space<hbm>>
    %dma_wait3A_346 = arith.constant 0 : i32
    %dma_wait3A_347 = tpu.memref_slice %arg4[%add3A_198, %dma_wait3A_346] : memref<16384x128xf32, #tpu.memory_space<hbm>> -> memref<64x128xf32, #tpu.memory_space<hbm>>
    %dma_wait3A_348 = arith.constant 0 : i32
    %dma_wait3A_349 = arith.constant 0 : i32
    %dma_wait3A_350 = tpu.memref_slice %arg6[%dma_wait3A_339, %dma_wait3A_348, %dma_wait3A_349] : memref<8x64x128xf32, #tpu.memory_space<vmem>> -> memref<1x64x128xf32, #tpu.memory_space<vmem>>
    %dma_wait3A_351 = tpu.memref_squeeze %dma_wait3A_350 : memref<1x64x128xf32, #tpu.memory_space<vmem>> -> memref<64x128xf32, #tpu.memory_space<vmem>>
    tpu.wait_dma2 semaphore(%arg16 : memref<!tpu.dma_semaphore, #tpu.memory_space<semaphore_mem>>) src(%dma_wait3A_351 : memref<64x128xf32, #tpu.memory_space<vmem>>) dst(%dma_wait3A_347 : memref<64x128xf32, #tpu.memory_space<hbm>>)
    %dma_wait3A_352 = arith.constant 5 : i32
    %dma_wait3A_353 = arith.constant 0 : i32
    %dma_wait3A_354 = arith.constant 0 : i32
    %dma_wait3A_355 = tpu.memref_slice %arg6[%dma_wait3A_352, %dma_wait3A_353, %dma_wait3A_354] : memref<8x64x128xf32, #tpu.memory_space<vmem>> -> memref<1x64x128xf32, #tpu.memory_space<vmem>>
    %dma_wait3A_356 = tpu.memref_squeeze %dma_wait3A_355 : memref<1x64x128xf32, #tpu.memory_space<vmem>> -> memref<64x128xf32, #tpu.memory_space<vmem>>
    %dma_wait3A_357 = arith.constant 0 : i32
    %dma_wait3A_358 = tpu.memref_slice %arg4[%add3A_223, %dma_wait3A_357] : memref<16384x128xf32, #tpu.memory_space<hbm>> -> memref<64x128xf32, #tpu.memory_space<hbm>>
    %dma_wait3A_359 = arith.constant 0 : i32
    %dma_wait3A_360 = tpu.memref_slice %arg4[%add3A_223, %dma_wait3A_359] : memref<16384x128xf32, #tpu.memory_space<hbm>> -> memref<64x128xf32, #tpu.memory_space<hbm>>
    %dma_wait3A_361 = arith.constant 0 : i32
    %dma_wait3A_362 = arith.constant 0 : i32
    %dma_wait3A_363 = tpu.memref_slice %arg6[%dma_wait3A_352, %dma_wait3A_361, %dma_wait3A_362] : memref<8x64x128xf32, #tpu.memory_space<vmem>> -> memref<1x64x128xf32, #tpu.memory_space<vmem>>
    %dma_wait3A_364 = tpu.memref_squeeze %dma_wait3A_363 : memref<1x64x128xf32, #tpu.memory_space<vmem>> -> memref<64x128xf32, #tpu.memory_space<vmem>>
    tpu.wait_dma2 semaphore(%arg16 : memref<!tpu.dma_semaphore, #tpu.memory_space<semaphore_mem>>) src(%dma_wait3A_364 : memref<64x128xf32, #tpu.memory_space<vmem>>) dst(%dma_wait3A_360 : memref<64x128xf32, #tpu.memory_space<hbm>>)
    %dma_wait3A_365 = arith.constant 6 : i32
    %dma_wait3A_366 = arith.constant 0 : i32
    %dma_wait3A_367 = arith.constant 0 : i32
    %dma_wait3A_368 = tpu.memref_slice %arg6[%dma_wait3A_365, %dma_wait3A_366, %dma_wait3A_367] : memref<8x64x128xf32, #tpu.memory_space<vmem>> -> memref<1x64x128xf32, #tpu.memory_space<vmem>>
    %dma_wait3A_369 = tpu.memref_squeeze %dma_wait3A_368 : memref<1x64x128xf32, #tpu.memory_space<vmem>> -> memref<64x128xf32, #tpu.memory_space<vmem>>
    %dma_wait3A_370 = arith.constant 0 : i32
    %dma_wait3A_371 = tpu.memref_slice %arg4[%add3A_248, %dma_wait3A_370] : memref<16384x128xf32, #tpu.memory_space<hbm>> -> memref<64x128xf32, #tpu.memory_space<hbm>>
    %dma_wait3A_372 = arith.constant 0 : i32
    %dma_wait3A_373 = tpu.memref_slice %arg4[%add3A_248, %dma_wait3A_372] : memref<16384x128xf32, #tpu.memory_space<hbm>> -> memref<64x128xf32, #tpu.memory_space<hbm>>
    %dma_wait3A_374 = arith.constant 0 : i32
    %dma_wait3A_375 = arith.constant 0 : i32
    %dma_wait3A_376 = tpu.memref_slice %arg6[%dma_wait3A_365, %dma_wait3A_374, %dma_wait3A_375] : memref<8x64x128xf32, #tpu.memory_space<vmem>> -> memref<1x64x128xf32, #tpu.memory_space<vmem>>
    %dma_wait3A_377 = tpu.memref_squeeze %dma_wait3A_376 : memref<1x64x128xf32, #tpu.memory_space<vmem>> -> memref<64x128xf32, #tpu.memory_space<vmem>>
    tpu.wait_dma2 semaphore(%arg16 : memref<!tpu.dma_semaphore, #tpu.memory_space<semaphore_mem>>) src(%dma_wait3A_377 : memref<64x128xf32, #tpu.memory_space<vmem>>) dst(%dma_wait3A_373 : memref<64x128xf32, #tpu.memory_space<hbm>>)
    %dma_wait3A_378 = arith.constant 7 : i32
    %dma_wait3A_379 = arith.constant 0 : i32
    %dma_wait3A_380 = arith.constant 0 : i32
    %dma_wait3A_381 = tpu.memref_slice %arg6[%dma_wait3A_378, %dma_wait3A_379, %dma_wait3A_380] : memref<8x64x128xf32, #tpu.memory_space<vmem>> -> memref<1x64x128xf32, #tpu.memory_space<vmem>>
    %dma_wait3A_382 = tpu.memref_squeeze %dma_wait3A_381 : memref<1x64x128xf32, #tpu.memory_space<vmem>> -> memref<64x128xf32, #tpu.memory_space<vmem>>
    %dma_wait3A_383 = arith.constant 0 : i32
    %dma_wait3A_384 = tpu.memref_slice %arg4[%add3A_273, %dma_wait3A_383] : memref<16384x128xf32, #tpu.memory_space<hbm>> -> memref<64x128xf32, #tpu.memory_space<hbm>>
    %dma_wait3A_385 = arith.constant 0 : i32
    %dma_wait3A_386 = tpu.memref_slice %arg4[%add3A_273, %dma_wait3A_385] : memref<16384x128xf32, #tpu.memory_space<hbm>> -> memref<64x128xf32, #tpu.memory_space<hbm>>
    %dma_wait3A_387 = arith.constant 0 : i32
    %dma_wait3A_388 = arith.constant 0 : i32
    %dma_wait3A_389 = tpu.memref_slice %arg6[%dma_wait3A_378, %dma_wait3A_387, %dma_wait3A_388] : memref<8x64x128xf32, #tpu.memory_space<vmem>> -> memref<1x64x128xf32, #tpu.memory_space<vmem>>
    %dma_wait3A_390 = tpu.memref_squeeze %dma_wait3A_389 : memref<1x64x128xf32, #tpu.memory_space<vmem>> -> memref<64x128xf32, #tpu.memory_space<vmem>>
    tpu.wait_dma2 semaphore(%arg16 : memref<!tpu.dma_semaphore, #tpu.memory_space<semaphore_mem>>) src(%dma_wait3A_390 : memref<64x128xf32, #tpu.memory_space<vmem>>) dst(%dma_wait3A_386 : memref<64x128xf32, #tpu.memory_space<hbm>>)
    return
  }
}

module attributes {stable_mosaic.version = 14 : i64} {
  func.func @_tc_lin_body(%arg0: i32, %arg1: memref<4096xf32, #tpu.memory_space<vmem>>, %arg2: memref<4096xf32, #tpu.memory_space<vmem>>, %arg3: memref<4096xf32, #tpu.memory_space<vmem>>, %arg4: memref<50xf32, #tpu.memory_space<vmem>>, %arg5: memref<50xf32, #tpu.memory_space<vmem>>, %arg6: memref<128xf32, #tpu.memory_space<vmem>>, %arg7: memref<128xf32, #tpu.memory_space<vmem>>, %arg8: memref<128xf32, #tpu.memory_space<vmem>>, %arg9: memref<128xf32, #tpu.memory_space<vmem>>, %arg10: memref<50x4096xf32, #tpu.memory_space<vmem>>, %arg11: memref<4096x128xf32, #tpu.memory_space<vmem>>, %arg12: memref<4096x128xf32, #tpu.memory_space<vmem>>) attributes {dimension_semantics = [#tpu.dimension_semantics<arbitrary>], iteration_bounds = array<i64: 4>, scalar_prefetch = 0 : i64, scratch_operands = 0 : i64, tpu.core_type = #tpu.core_type<tc>, window_params = [{transform_indices = @transform_0, window_bounds = array<i64: 4096>}, {transform_indices = @transform_1, window_bounds = array<i64: 4096>}, {transform_indices = @transform_2, window_bounds = array<i64: 4096>}, {pipeline_mode = #tpu.pipeline_mode<synchronous>, transform_indices = @transform_3, window_bounds = array<i64: 50>}, {pipeline_mode = #tpu.pipeline_mode<synchronous>, transform_indices = @transform_4, window_bounds = array<i64: 50>}, {pipeline_mode = #tpu.pipeline_mode<synchronous>, transform_indices = @transform_5, window_bounds = array<i64: 128>}, {pipeline_mode = #tpu.pipeline_mode<synchronous>, transform_indices = @transform_6, window_bounds = array<i64: 128>}, {pipeline_mode = #tpu.pipeline_mode<synchronous>, transform_indices = @transform_7, window_bounds = array<i64: 128>}, {pipeline_mode = #tpu.pipeline_mode<synchronous>, transform_indices = @transform_8, window_bounds = array<i64: 128>}, {transform_indices = @transform_9, window_bounds = array<i64: 50, 4096>}, {transform_indices = @transform_10, window_bounds = array<i64: 4096, 128>}, {transform_indices = @transform_11, window_bounds = array<i64: 4096, 128>}]} {
    %get3A = arith.constant 0 : index
    %get3A_0 = vector.load %arg2[%get3A] : memref<4096xf32, #tpu.memory_space<vmem>>, vector<4096xf32>
    %reshape3A = vector.shape_cast %get3A_0 : vector<4096xf32> to vector<4096x1xf32>
    %get3A_1 = arith.constant 0 : index
    %get3A_2 = vector.load %arg3[%get3A_1] : memref<4096xf32, #tpu.memory_space<vmem>>, vector<4096xf32>
    %reshape3A_3 = vector.shape_cast %get3A_2 : vector<4096xf32> to vector<4096x1xf32>
    %get3A_4 = arith.constant 0 : index
    %get3A_5 = vector.load %arg1[%get3A_4] : memref<4096xf32, #tpu.memory_space<vmem>>, vector<4096xf32>
    %reshape3A_6 = vector.shape_cast %get3A_5 : vector<4096xf32> to vector<1x4096xf32>
    %get3A_7 = arith.constant 0 : index
    %get3A_8 = vector.load %arg4[%get3A_7] : memref<50xf32, #tpu.memory_space<vmem>>, vector<50xf32>
    %reshape3A_9 = vector.shape_cast %get3A_8 : vector<50xf32> to vector<50x1xf32>
    %mul3A = vector.broadcast %reshape3A_9 : vector<50x1xf32> to vector<50x4096xf32>
    %mul3A_10 = vector.broadcast %reshape3A_6 : vector<1x4096xf32> to vector<50x4096xf32>
    %mul3A_11 = arith.mulf %mul3A, %mul3A_10 : vector<50x4096xf32>
    %get3A_12 = arith.constant 0 : index
    %get3A_13 = vector.load %arg5[%get3A_12] : memref<50xf32, #tpu.memory_space<vmem>>, vector<50xf32>
    %reshape3A_14 = vector.shape_cast %get3A_13 : vector<50xf32> to vector<50x1xf32>
    %add3A = vector.broadcast %reshape3A_14 : vector<50x1xf32> to vector<50x4096xf32>
    %add3A_15 = arith.addf %mul3A_11, %add3A : vector<50x4096xf32>
    %swap3A = arith.constant 0 : index
    %swap3A_16 = arith.constant 0 : index
    %swap3A_17 = vector.load %arg10[%swap3A, %swap3A_16] : memref<50x4096xf32, #tpu.memory_space<vmem>>, vector<50x4096xf32>
    tpu.vector_store %arg10[%swap3A, %swap3A_16], %add3A_15 {strides = array<i32>} : memref<50x4096xf32, #tpu.memory_space<vmem>>, vector<50x4096xf32>,
    %get3A_18 = arith.constant 0 : index
    %get3A_19 = vector.load %arg6[%get3A_18] : memref<128xf32, #tpu.memory_space<vmem>>, vector<128xf32>
    %reshape3A_20 = vector.shape_cast %get3A_19 : vector<128xf32> to vector<1x128xf32>
    %mul3A_21 = vector.broadcast %reshape3A : vector<4096x1xf32> to vector<4096x128xf32>
    %mul3A_22 = vector.broadcast %reshape3A_20 : vector<1x128xf32> to vector<4096x128xf32>
    %mul3A_23 = arith.mulf %mul3A_21, %mul3A_22 : vector<4096x128xf32>
    %get3A_24 = arith.constant 0 : index
    %get3A_25 = vector.load %arg7[%get3A_24] : memref<128xf32, #tpu.memory_space<vmem>>, vector<128xf32>
    %reshape3A_26 = vector.shape_cast %get3A_25 : vector<128xf32> to vector<1x128xf32>
    %add3A_27 = vector.broadcast %reshape3A_26 : vector<1x128xf32> to vector<4096x128xf32>
    %add3A_28 = arith.addf %mul3A_23, %add3A_27 : vector<4096x128xf32>
    %swap3A_29 = arith.constant 0 : index
    %swap3A_30 = arith.constant 0 : index
    %swap3A_31 = vector.load %arg11[%swap3A_29, %swap3A_30] : memref<4096x128xf32, #tpu.memory_space<vmem>>, vector<4096x128xf32>
    tpu.vector_store %arg11[%swap3A_29, %swap3A_30], %add3A_28 {strides = array<i32>} : memref<4096x128xf32, #tpu.memory_space<vmem>>, vector<4096x128xf32>,
    %get3A_32 = arith.constant 0 : index
    %get3A_33 = vector.load %arg8[%get3A_32] : memref<128xf32, #tpu.memory_space<vmem>>, vector<128xf32>
    %reshape3A_34 = vector.shape_cast %get3A_33 : vector<128xf32> to vector<1x128xf32>
    %mul3A_35 = vector.broadcast %reshape3A_3 : vector<4096x1xf32> to vector<4096x128xf32>
    %mul3A_36 = vector.broadcast %reshape3A_34 : vector<1x128xf32> to vector<4096x128xf32>
    %mul3A_37 = arith.mulf %mul3A_35, %mul3A_36 : vector<4096x128xf32>
    %get3A_38 = arith.constant 0 : index
    %get3A_39 = vector.load %arg9[%get3A_38] : memref<128xf32, #tpu.memory_space<vmem>>, vector<128xf32>
    %reshape3A_40 = vector.shape_cast %get3A_39 : vector<128xf32> to vector<1x128xf32>
    %add3A_41 = vector.broadcast %reshape3A_40 : vector<1x128xf32> to vector<4096x128xf32>
    %add3A_42 = arith.addf %mul3A_37, %add3A_41 : vector<4096x128xf32>
    %swap3A_43 = arith.constant 0 : index
    %swap3A_44 = arith.constant 0 : index
    %swap3A_45 = vector.load %arg12[%swap3A_43, %swap3A_44] : memref<4096x128xf32, #tpu.memory_space<vmem>>, vector<4096x128xf32>
    tpu.vector_store %arg12[%swap3A_43, %swap3A_44], %add3A_42 {strides = array<i32>} : memref<4096x128xf32, #tpu.memory_space<vmem>>, vector<4096x128xf32>,
    return
  }
  func.func @transform_0(%arg0: i32) -> i32 {
    %c0_i32 = arith.constant 0 : i32
    return %arg0 : i32
  }
  func.func @transform_1(%arg0: i32) -> i32 {
    %c0_i32 = arith.constant 0 : i32
    return %arg0 : i32
  }
  func.func @transform_2(%arg0: i32) -> i32 {
    %c0_i32 = arith.constant 0 : i32
    return %arg0 : i32
  }
  func.func @transform_3(%arg0: i32) -> i32 {
    %c0_i32 = arith.constant 0 : i32
    %c0_i32_0 = arith.constant 0 : i32
    return %c0_i32 : i32
  }
  func.func @transform_4(%arg0: i32) -> i32 {
    %c0_i32 = arith.constant 0 : i32
    %c0_i32_0 = arith.constant 0 : i32
    return %c0_i32 : i32
  }
  func.func @transform_5(%arg0: i32) -> i32 {
    %c0_i32 = arith.constant 0 : i32
    %c0_i32_0 = arith.constant 0 : i32
    return %c0_i32 : i32
  }
  func.func @transform_6(%arg0: i32) -> i32 {
    %c0_i32 = arith.constant 0 : i32
    %c0_i32_0 = arith.constant 0 : i32
    return %c0_i32 : i32
  }
  func.func @transform_7(%arg0: i32) -> i32 {
    %c0_i32 = arith.constant 0 : i32
    %c0_i32_0 = arith.constant 0 : i32
    return %c0_i32 : i32
  }
  func.func @transform_8(%arg0: i32) -> i32 {
    %c0_i32 = arith.constant 0 : i32
    %c0_i32_0 = arith.constant 0 : i32
    return %c0_i32 : i32
  }
  func.func @transform_9(%arg0: i32) -> (i32, i32) {
    %c0_i32 = arith.constant 0 : i32
    %c0_i32_0 = arith.constant 0 : i32
    return %c0_i32, %arg0 : i32, i32
  }
  func.func @transform_10(%arg0: i32) -> (i32, i32) {
    %c0_i32 = arith.constant 0 : i32
    %c0_i32_0 = arith.constant 0 : i32
    return %arg0, %c0_i32 : i32, i32
  }
  func.func @transform_11(%arg0: i32) -> (i32, i32) {
    %c0_i32 = arith.constant 0 : i32
    %c0_i32_0 = arith.constant 0 : i32
    return %arg0, %c0_i32 : i32, i32
  }
}

</mosaic_0001>

<sc_bundles>
// kernel: kernel.4.cloned.1.call-start
scs
__scs_entry_jumppad:
0x0: {  	(pc) =	sbr.rel $0x88, $3  }
0x1: {  	(tag) =	ssettag $0x0;
	lr =	simm.s32 $0x1  }
0x2: {  	[smem:$0x3F96] =	sst lr;
	_ =	strace $0xD0000000  }
0x3: {  	_ = 	snop  }
0x4: {  	_ = 	snop  }
0x5: {  	_ = 	snop  }
0x6: {  	_ = 	snop  }
0x7: {  	_ = 	snop  }
__scs_overlays_trampoline_lowered:
0x8: {  	[smem:$0x3FA5] =	sst s0  }
0x9: {  	[smem:$0x3FA6] =	sst s1  }
0xa: {  	[smem:$0x3FA7] =	sst s2  }
0xb: {  	[smem:$0x3FA8] =	sst s3  }
0xc: {  	[smem:$0x3FA9] =	sst s4  }
0xd: {  	[smem:$0x3FAA] =	sst s5  }
0xe: {  	[smem:$0x3FAB] =	sst s6  }
0xf: {  	[smem:$0x3FAC] =	sst s7  }
0x10: {  	[smem:$0x3FAD] =	sst s8  }
0x11: {  	[smem:$0x3FAE] =	sst s9;
	s0 =	simm.s32 @!p0 $0x0  }
0x12: {  	s1 =	sld [smem:$0x3F94];
	s0 =	simm.s32 @p0 $0x1  }
0x13: {  	[smem:$0x3FAF] =	sst s0;
	s0 =	simm.s32 @!p1 $0x0  }
0x14: {  	s2 =	sld [smem:$0x3F93];
	s0 =	simm.s32 @p1 $0x1  }
0x15: {  	[smem:$0x3FB0] =	sst s0;
	s0 =	simm.s32 @!p2 $0x0  }
0x16: {  	s3 =	sld [smem:$0x3FDB];
	s0 =	simm.s32 @p2 $0x1  }
0x17: {  	s4 =	simm.s32 $0x1BF5;
	[smem:$0x3FB2] =	sst s0  }
0x18: {  	s0 =	sld [smem:$0x3F95];
	_ =	swait.ge [sflag:s4], $0x0  }
0x19: {  	s7 =	sld [smem:$0x3F96]  }
0x1a: {  	s8 =	sadd.s32 $0xFFFFE003, lr  }
0x1b: {  	s9 =	sadd.s32 $0xFFFFFEF7, lr;
	s5 =	simm.s32 $0xFFFFFFFF;
	p2 =	slt.u32 s8, $0xFFFFF086  }
0x1c: {  	p1 =	slt.u32 s9, $0xF7A;
	s5 =	simm.s32 @!p2 $0x0  }
0x1d: {  	s5 =	simm.s32 @p1 $0x1;
	p0 =	seq.s32 s7, s2  }
0x1e: {  	s7 =	smul.u32 @!p0 $0xF7A, s2;
	p2 =	seq.s32 @!p0 s5, $0x0  }
0x1f: {  	s9 =	smul.u32 $0xF7A, s1;
	s8 =	simm.s32 @!p0 $0x1BF5;
	p2 =	por !p2, p0  }
0x20: {  	[sflag:s8] =	ssyncset.s32 @!p0 $0xFFFFF086;
	s6 =	sadd.s32 @!p0 s3, s7;
	s7 =	simm.s32 @!p0 $0x108  }
0x21: {  	s3 =	sadd.s32 s3, s9;
	s6 =	sadd.s32 @!p0 $0x88, s6;
	s7 =	simm.s32 @p2 $0x1082  }
0x22: {  	[simem:s7], [sflag:s8] =	dma.local @!p0 [hbm:s6], $0xF7A  }
0x23: {  	s9 =	sor.u32 $0xD0000000, s2;
	s6 =	simm.s32 $0x108;
	_ =	swait.ge @!p0 [sflag:s8], $0x0  }
0x24: {  	s3 =	sadd.s32 $0x88, s3;
	s6 =	simm.s32 @!p1 $0x1082;
	[sflag:s4] =	ssyncset.s32 $0xFFFFF086  }
0x25: {  	[simem:s6], [sflag:s4] =	dma.local [hbm:s3], $0xF7A  }
0x26: {  	[smem:$0x3F96] =	sst s1;
	(tag) =	ssettag s2;
	_ =	strace s9  }
0x27: {  	s1 =	sld [smem:$0x3FA6]  }
0x28: {  	s2 =	sld [smem:$0x3FA7]  }
0x29: {  	s4 =	sld [smem:$0x3FA9]  }
0x2a: {  	p0 =	seq.s32 s5, $0x0;
	s5 =	sld [smem:$0x3FAA]  }
0x2b: {  	s6 =	sld [smem:$0x3FAB]  }
0x2c: {  	s7 =	sld [smem:$0x3FAC]  }
0x2d: {  	s3 =	simm.s32 $0x108;
	s8 =	sld [smem:$0x3FAD]  }
0x2e: {  	s3 =	simm.s32 @!p0 $0x1082;
	s9 =	sld [smem:$0x3FAE]  }
0x2f: {  	lr =	sadd.s32 s0, s3;
	s0 =	sld [smem:$0x3FA5]  }
0x30: {  	s3 =	sld [smem:$0x3FA8]  }
0x31: {  	[smem:$0x3FB1] =	sst s10  }
0x32: {  	s10 =	sld [smem:$0x3FAF];
	_ =	sdelay $0x3  }
0x33: {  	p0 =	seq.s32 s10, $0x1;
	s10 =	sld [smem:$0x3FB1];
	_ =	sdelay $0x3  }
0x34: {  	[smem:$0x3FB1] =	sst s10  }
0x35: {  	s10 =	sld [smem:$0x3FB0];
	_ =	sdelay $0x3  }
0x36: {  	p1 =	seq.s32 s10, $0x1;
	s10 =	sld [smem:$0x3FB1];
	_ =	sdelay $0x3  }
0x37: {  	[smem:$0x3FB1] =	sst s10  }
0x38: {  	s10 =	sld [smem:$0x3FB2]  }
0x39: {  	_ = 	snop;
	(pc) =	sbr.ind lr, $3  }
0x3a: {  	_ = 	snop  }
0x3b: {  	_ = 	snop  }
0x3c: {  	p2 =	seq.s32 s10, $0x1;
	s10 =	sld [smem:$0x3FB1]  }
0x3d: {  	_ =	shalt  }
0x3e: {  	_ =	shalt  }
0x3f: {  	_ =	shalt  }
0x40: {  	_ =	shalt  }
0x41: {  	_ =	shalt  }
0x42: {  	_ =	shalt  }
0x43: {  	_ =	shalt  }
0x44: {  	_ =	shalt  }
0x45: {  	_ =	shalt  }
0x46: {  	_ =	shalt  }
0x47: {  	_ =	shalt  }
0x48: {  	_ =	shalt  }
0x49: {  	_ =	shalt  }
0x4a: {  	_ =	shalt  }
0x4b: {  	_ =	shalt  }
0x4c: {  	_ =	shalt  }
0x4d: {  	_ =	shalt  }
0x4e: {  	_ =	shalt  }
0x4f: {  	_ =	shalt  }
0x50: {  	_ =	shalt  }
0x51: {  	_ =	shalt  }
0x52: {  	_ =	shalt  }
0x53: {  	_ =	shalt  }
0x54: {  	_ =	shalt  }
0x55: {  	_ =	shalt  }
0x56: {  	_ =	shalt  }
0x57: {  	_ =	shalt  }
0x58: {  	_ =	shalt  }
0x59: {  	_ =	shalt  }
0x5a: {  	_ =	shalt  }
0x5b: {  	_ =	shalt  }
0x5c: {  	_ =	shalt  }
0x5d: {  	_ =	shalt  }
0x5e: {  	_ =	shalt  }
0x5f: {  	_ =	shalt  }
0x60: {  	_ =	shalt  }
0x61: {  	_ =	shalt  }
0x62: {  	_ =	shalt  }
0x63: {  	_ =	shalt  }
0x64: {  	_ =	shalt  }
0x65: {  	_ =	shalt  }
0x66: {  	_ =	shalt  }
0x67: {  	_ =	shalt  }
0x68: {  	_ =	shalt  }
0x69: {  	_ =	shalt  }
0x6a: {  	_ =	shalt  }
0x6b: {  	_ =	shalt  }
0x6c: {  	_ =	shalt  }
0x6d: {  	_ =	shalt  }
0x6e: {  	_ =	shalt  }
0x6f: {  	_ =	shalt  }
0x70: {  	_ =	shalt  }
0x71: {  	_ =	shalt  }
0x72: {  	_ =	shalt  }
0x73: {  	_ =	shalt  }
0x74: {  	_ =	shalt  }
0x75: {  	_ =	shalt  }
0x76: {  	_ =	shalt  }
0x77: {  	_ =	shalt  }
0x78: {  	_ =	shalt  }
0x79: {  	_ =	shalt  }
0x7a: {  	_ =	shalt  }
0x7b: {  	_ =	shalt  }
0x7c: {  	_ =	shalt  }
0x7d: {  	_ =	shalt  }
0x7e: {  	_ =	shalt  }
0x7f: {  	_ =	shalt  }
0x80: {  	_ =	shalt  }
0x81: {  	_ =	shalt  }
0x82: {  	_ =	shalt  }
0x83: {  	_ =	shalt  }
0x84: {  	_ =	shalt  }
0x85: {  	_ =	shalt  }
0x86: {  	_ =	shalt  }
0x87: {  	_ =	shalt  }
.Lfunc_end0:
.L_simem_size_0:
called_computation_lowered:
.L_overlay_start_0:
0x88: {  	s2 =	sld [smem:$0x3FD9]  }
0x89: {  	s3 =	sld [smem:$0x3FFE];
	_ =	sdelay $0x1  }
0x8a: {  	s1 =	srdreg.scid  }
0x8b: {  	s0 =	sand.u32 $0x1, s1  }
0x8c: {  	s15 =	sshll.u32 s0, $0xA;
	s2 =	sadd.s32 s3, s2  }
0x8d: {  	s2 =	sadd.s32 s2, s15  }
0x8e: {  	[smem:$0x3FBD] =	sst s2  }
0x8f: {  	_ = 	snop  }
0x90: {  	s2 =	sld [smem:$0x3FD0];
	_ =	sdelay $0x1  }
0x91: {  	s16 =	sld [smem:$0x3FC9]  }
0x92: {  	s5 =	simm.s32 $0xA;
	s6 =	simm.s32 $0x10;
	s4 =	sld [smem:$0x3FC5]  }
0x93: {  	[smem:s6], [sflag:s5] =	dma.local [hbm:s2], $0x1  }
0x94: {  	_ =	swait.eq [sflag:s5], $0x1  }
0x95: {  	[sflag:s5] =	ssyncset.done $0x0  }
0x96: {  	[sflag:s5] =	ssyncadd.s32 $0xFFFFFFFF  }
0x97: {  	s17 =	sld [smem:$0x10];
	(tm) =	ssettm $0x1  }
0x98: {  	s18 =	sld [smem:$0x3FFB];
	_ =	sdelay $0x3  }
0x99: {  	_ =	strace s18  }
0x9a: {  	s5 =	sld [smem:$0x3FFC];
	_ =	sdelay $0x3  }
0x9b: {  	_ =	strace s5  }
0x9c: {  	s5 =	sld [smem:$0x3FFD];
	_ =	sdelay $0x3  }
0x9d: {  	_ =	strace s5  }
0x9e: {  	_ =	strace $0x8FFFFFFF  }
0x9f: {  	s19 =	sld [smem:$0x3FDB];
	_ =	sdelay $0x1  }
0xa0: {  	s20 =	simm.s32 $_scs_section_size  }
0xa1: {  	s7 =	simm.s32 $_size__tile_overlayer_lowered;
	s8 =	simm.s32 $_tile_overlayer_lowered  }
0xa2: {  	s23 =	simm.s32 $0x1BFF;
	s22 =	sshll.u32 s8, $0x1;
	s5 =	sadd.s32 s20, s19  }
0xa3: {  	s9 =	simm.s32 $0x0;
	s21 =	sshll.u32 s7, $0x1;
	s7 =	sadd.s32 s22, s5  }
0xa4: {  	[timem:s9], [sflag:s23] =	dma.local [hbm:s7], s21  }
0xa5: {  	_ =	swait.ge [sflag:s23], s21  }
0xa6: {  	s6 =	ssub.s32 $0x0, s21;
	[sflag:s23] =	ssyncset.done $0x0  }
0xa7: {  	[sflag:s23] =	ssyncadd.s32 s6;
	_ =	sdelay $0x1  }
0xa8: {  	s24 =	simm.s32 $0x1B8B  }
0xa9: {  	_ =	swait.ge [sflag:s24], $0x1  }
0xaa: {  	[sflag:s24] =	ssyncset.done $0x0  }
0xab: {  	s25 =	simm.s32 $0x1B8E;
	[sflag:s24] =	ssyncadd.s32 $0xFFFFFFFF  }
0xac: {  	s26 =	simm.s32 $execute0_lowered;
	[smem:$0x3FD2] =	sst s25  }
0xad: {  	s6 =	sshll.u32 s26, $0x1;
	_ =	strace $0x80000046;
	[dreg:$0x1] =	wrdreg $0xFFFFFFFF  }
0xae: {  	s28 =	simm.s32 $_size_execute0_lowered;
	s5 =	sadd.s32 s5, s6;
	[dreg:$0x0] =	wrdreg $0x0  }
0xaf: {  	s6 =	sshll.u32 s28, $0x1;
	[dreg:$0x2] =	wrdreg s5  }
0xb0: {  	[dreg:$0x3] =	wrdreg s6  }
0xb1: {  	[dreg:$0x4] =	wrdreg $0xC0  }
0xb2: {  	_ =	task [dreg:s9], $0x5FFFF  }
0xb3: {  	[dreg:$0x1] =	wrdreg $0xFFFFFFFF  }
0xb4: {  	[dreg:$0x0] =	wrdreg $0x60  }
0xb5: {  	[dreg:$0x2] =	wrdreg s16  }
0xb6: {  	[dreg:$0x3] =	wrdreg s4  }
0xb7: {  	[dreg:$0x4] =	wrdreg s17  }
0xb8: {  	[dreg:$0x5] =	wrdreg $0x102000  }
0xb9: {  	[dreg:$0x6] =	wrdreg $0x9  }
0xba: {  	_ =	task.clear_ibuf [dreg:s9], $0x7FFFF;
	_ =	strace $0x90000046  }
0xbb: {  	s29 =	simm.s32 $0x9;
	_ =	strace $0x80000048  }
0xbc: {  	_ =	swait.ge [sflag:s29], $0x1  }
0xbd: {  	[sflag:s29] =	ssyncadd.s32 $0xFFFFFFFF  }
0xbe: {  	_ =	strace $0x90000048  }
0xbf: {  	_ =	sfence  }
0xc0: {  	s30 =	sld [smem:$0x0];
	_ =	sdelay $0x2  }
0xc1: {  	s31 =	sshll.u32 s1, $0xD;
	s1 =	sshrl.u32 s1, $0x2  }
0xc2: {  	s3 =	sand.u32 $0x4000, s31;
	s1 =	sadd.s32 s1, s30  }
0xc3: {  	s0 =	sor.u32 s3, s0;
	s1 =	sshll.u32 s1, $0x11  }
0xc4: {  	s0 =	sor.u32 s1, s0  }
0xc5: {  	s0 =	sadd.s32 $0x8F2B, s0  }
0xc6: {  	[sflag:s0] =	ssyncadd.remote.s32 $0x1  }
0xc7: {  	_ =	sfence.sel $0xFFFF  }
0xc8: {  	[dreg:$0x0] =	wrdreg $0xFFFFFFFF;
	(pc) =	sbr.abs _section_cstart, $3  }
0xc9: {  	[dreg:$0x1] =	wrdreg $0xFFFFFFFF  }
0xca: {  	_ =	task.clear_ibuf [dreg:s9], $0x2FFFF;
	_ =	strace $0x9FFFFFFF  }
0xcb: {  	(tm) =	ssettm $0x7FFFFFFF  }
tec
execute0_lowered:
.L_overlay_start_1:
0x0: {  	(tag) =	ssettag $0x1  }
0x1: {  	s0 =	rddreg [dreg:$0x0]  }
0x2: {  	s1 =	rddreg [dreg:$0x1]  }
0x3: {  	s18 =	srdreg.scid;
	s2 =	rddreg [dreg:$0x2]  }
0x4: {  	s5 =	stileid.u32;
	s3 =	rddreg [dreg:$0x3]  }
0x5: {  	s29 =	rddreg [dreg:$0x4];
	s17 =	simm.s32 $0x40;
	s30 =	simm.s32 $0x80  }
0x6: {  	s16 =	simm.s32 $0x200;
	s14 =	simm.s32 $0x2200;
	s11 =	simm.s32 $0x4200  }
0x7: {  	s9 =	simm.s32 $0x6200;
	s8 =	simm.s32 $0x8200;
	s28 =	simm.s32 $0x1C0  }
0x8: {  	s15 =	simm.s32 $0x5;
	s13 =	simm.s32 $0x6;
	p1 =	por $0x0, $0x0  }
0x9: {  	s12 =	simm.s32 $0x7;
	s10 =	simm.s32 $0x8;
	[dreg:$0x5] =	wrdreg s1  }
0xa: {  	s6 =	sand.u32 $0x1, s18;
	s4 =	sshll.u32 s5, $0xA;
	s1 =	simm.s32 $0x0  }
0xb: {  	p0 =	sne.s32 s5, $0x0;
	s5 =	simm.s32 $0xE200;
	s7 =	sshll.u32 s6, $0x9  }
0xc: {  	s18 =	simm.s32 $0x4;
	[smem:$0x7FF] =	sst s1;
	s4 =	sor.u32 s7, s4  }
0xd: {  	_ =	strace $0x80000047;
	s7 =	sshrl.u32 s4, $0x3;
	s4 =	sshll.u32 s4, $0x4  }
0xe: {  	[dreg:$0xf] =	wrdreg s30;
	s0 =	sadd.s32 s0, s7;
	s4 =	sadd.s32 s2, s4  }
0xf: {  	s23 =	ssub.s32 $0x2, s6;
	[dreg:$0x6] =	wrdreg s0;
	s19 =	sadd.s32 $0x400, s4  }
0x10: {  	s6 =	sshrl.u32 s23, $0x1;
	s20 =	sadd.s32 $0x800, s4;
	[dreg:$0x7] =	wrdreg s19  }
0x11: {  	s2 =	ssub.s32 s23, s6;
	s21 =	sadd.s32 $0xC00, s4;
	[dreg:$0x8] =	wrdreg s20  }
0x12: {  	s23 =	simm.s32 $0x100;
	s22 =	sadd.s32 $0x1000, s4;
	[dreg:$0x9] =	wrdreg s21  }
0x13: {  	s24 =	sadd.s32 $0x1400, s4;
	s2 =	smax.u32 s2, $0x1;
	[dreg:$0xa] =	wrdreg s22  }
0x14: {  	s25 =	sadd.s32 $0x1800, s4;
	[dreg:$0xb] =	wrdreg s24;
	s31 =	sadd.s32 $0xFFFFFFFF, s2  }
0x15: {  	s26 =	sadd.s32 $0x1C00, s4;
	[dreg:$0xc] =	wrdreg s25;
	p2 =	sne.s32 s31, $0x0  }
.Ltmp0:
0x16: {  	s0 =	sshrl.u32 @!p0 s3, $0x3;
	[dreg:$0xd] =	wrdreg s26;
	(pc) =	sbr.rel @!p2 .LBB2_1-.Ltmp0, $4  }
0x17: {  	s7 =	simm.s32 $0xA200;
	s6 =	simm.s32 $0xC200;
	[dreg:$0xe] =	wrdreg s0  }
0x18: {  	s20 =	simm.s32 $0xA;
	s22 =	simm.s32 $0xC0;
	s24 =	simm.s32 $0x140  }
0x19: {  	s25 =	simm.s32 $0x180;
	s26 =	simm.s32 $0x1;
	s21 =	simm.s32 $0x2  }
0x1a: {  	s19 =	simm.s32 $0x3;
	s2 =	simm.s32 $0x9;
	s0 =	rddreg [dreg:$0xe]  }
0x1b: {  	s29 =	rddreg [dreg:$0x6]  }
0x1c: {  	[tilespmem:s1], [sflag:$0xA] =	stream.linear.gather [hbm4b:s29+s1], $0x200, $0x38;
	[tilespmem:$0x10520] =	vst v63  }
0x1d: {  	s30 =	rddreg [dreg:$0x5];
	s29 =	simm.s32 @!p0 $0x1C0B  }
0x1e: {  	[spmem:s0], [sflag:s29] =	dma.local @!p0 [hbm:s30], $0x640  }
0x1f: {  	s30 =	simm.s32 @!p0 $0xB  }
0x20: {  	_ =	swait.ge @!p0 [sflag:s30], $0x640  }
0x21: {  	[sflag:s30] =	ssyncset.done @!p0 $0x0  }
0x22: {  	[sflag:s30] =	ssyncadd.s32 @!p0 $0xFFFFF9C0  }
0x23: {  	_ =	swait.ge [sflag:s20], $0x200  }
0x24: {  	[sflag:s20] =	ssyncset.done $0x0  }
0x25: {  	[sflag:s20] =	ssyncadd.s32 $0xFFFFFE00  }
0x26: {  	[bflag:$0x0] =	sbarrier.arrive $0xFFFF  }
0x27: {  	[tilespmem:s16], [sflag:$0x1] =	stream.indirect.gather [spmem:s3], $0x80, s1, s17, $0xb8;
	[tilespmem:$0x10520] =	vst v63  }
0x28: {  	_ = 	snop  }
0x29: {  	[tilespmem:s14], [sflag:$0x2] =	stream.indirect.gather [spmem:s3], $0x80, s17, s17, $0xb8;
	[tilespmem:$0x10520] =	vst v63  }
0x2a: {  	s0 =	rddreg [dreg:$0xf]  }
0x2b: {  	[tilespmem:s11], [sflag:$0x3] =	stream.indirect.gather [spmem:s3], $0x80, s0, s17, $0xb8;
	[tilespmem:$0x10520] =	vst v63  }
0x2c: {  	_ = 	snop  }
0x2d: {  	[tilespmem:s9], [sflag:$0x4] =	stream.indirect.gather [spmem:s3], $0x80, s22, s17, $0xb8;
	[tilespmem:$0x10520] =	vst v63  }
0x2e: {  	_ = 	snop  }
0x2f: {  	[tilespmem:s8], [sflag:$0x5] =	stream.indirect.gather [spmem:s3], $0x80, s23, s17, $0xb8;
	[tilespmem:$0x10520] =	vst v63  }
0x30: {  	_ = 	snop  }
0x31: {  	[tilespmem:s7], [sflag:$0x6] =	stream.indirect.gather [spmem:s3], $0x80, s24, s17, $0xb8;
	[tilespmem:$0x10520] =	vst v63  }
0x32: {  	_ = 	snop  }
0x33: {  	[tilespmem:s6], [sflag:$0x7] =	stream.indirect.gather [spmem:s3], $0x80, s25, s17, $0xb8;
	[tilespmem:$0x10520] =	vst v63  }
0x34: {  	_ = 	snop  }
0x35: {  	[tilespmem:s5], [sflag:$0x8] =	stream.indirect.gather [spmem:s3], $0x80, s28, s17, $0xb8;
	[tilespmem:$0x10520] =	vst v63  }
0x36: {  	_ =	swait.ge [sflag:s26], $0x2000  }
0x37: {  	[sflag:s26] =	ssyncset.done $0x0  }
0x38: {  	[sflag:s26] =	ssyncadd.s32 $0xFFFFE000  }
0x39: {  	[hbm4b:s4+s1] =	stream.linear.scatter [tilespmem:s16], [sflag:$0x9], $0x2000, $0x38;
	[tilespmem:$0x10520] =	vst v63  }
0x3a: {  	_ =	swait.ge [sflag:s21], $0x2000  }
0x3b: {  	[sflag:s21] =	ssyncset.done $0x0  }
0x3c: {  	s23 =	rddreg [dreg:$0x7];
	[sflag:s21] =	ssyncadd.s32 $0xFFFFE000  }
0x3d: {  	[hbm4b:s23+s1] =	stream.linear.scatter [tilespmem:s14], [sflag:$0x9], $0x2000, $0x38;
	[tilespmem:$0x10520] =	vst v63  }
0x3e: {  	_ =	swait.ge [sflag:s19], $0x2000  }
0x3f: {  	[sflag:s19] =	ssyncset.done $0x0  }
0x40: {  	s22 =	rddreg [dreg:$0x8];
	[sflag:s19] =	ssyncadd.s32 $0xFFFFE000  }
0x41: {  	[hbm4b:s22+s1] =	stream.linear.scatter [tilespmem:s11], [sflag:$0x9], $0x2000, $0x38;
	[tilespmem:$0x10520] =	vst v63  }
0x42: {  	_ =	swait.ge [sflag:s18], $0x2000  }
0x43: {  	[sflag:s18] =	ssyncset.done $0x0  }
0x44: {  	s23 =	rddreg [dreg:$0x9];
	[sflag:s18] =	ssyncadd.s32 $0xFFFFE000  }
0x45: {  	[hbm4b:s23+s1] =	stream.linear.scatter [tilespmem:s9], [sflag:$0x9], $0x2000, $0x38;
	[tilespmem:$0x10520] =	vst v63  }
0x46: {  	_ =	swait.ge [sflag:s15], $0x2000  }
0x47: {  	[sflag:s15] =	ssyncset.done $0x0  }
0x48: {  	s22 =	rddreg [dreg:$0xa];
	[sflag:s15] =	ssyncadd.s32 $0xFFFFE000  }
0x49: {  	[hbm4b:s22+s1] =	stream.linear.scatter [tilespmem:s8], [sflag:$0x9], $0x2000, $0x38;
	[tilespmem:$0x10520] =	vst v63  }
0x4a: {  	_ =	swait.ge [sflag:s13], $0x2000  }
0x4b: {  	[sflag:s13] =	ssyncset.done $0x0  }
0x4c: {  	s23 =	rddreg [dreg:$0xb];
	[sflag:s13] =	ssyncadd.s32 $0xFFFFE000  }
0x4d: {  	[hbm4b:s23+s1] =	stream.linear.scatter [tilespmem:s7], [sflag:$0x9], $0x2000, $0x38;
	[tilespmem:$0x10520] =	vst v63  }
0x4e: {  	_ =	swait.ge [sflag:s12], $0x2000  }
0x4f: {  	[sflag:s12] =	ssyncset.done $0x0  }
0x50: {  	s22 =	rddreg [dreg:$0xc];
	[sflag:s12] =	ssyncadd.s32 $0xFFFFE000  }
0x51: {  	[hbm4b:s22+s1] =	stream.linear.scatter [tilespmem:s6], [sflag:$0x9], $0x2000, $0x38;
	[tilespmem:$0x10520] =	vst v63  }
0x52: {  	_ =	swait.ge [sflag:s10], $0x2000  }
0x53: {  	[sflag:s10] =	ssyncset.done $0x0  }
0x54: {  	s23 =	rddreg [dreg:$0xd];
	[sflag:s10] =	ssyncadd.s32 $0xFFFFE000  }
0x55: {  	[hbm4b:s23+s1] =	stream.linear.scatter [tilespmem:s5], [sflag:$0x9], $0x2000, $0x38;
	[tilespmem:$0x10520] =	vst v63  }
0x56: {  	_ =	swait.ge [sflag:s2], $0x2000  }
0x57: {  	[sflag:s2] =	ssyncset.done $0x0  }
0x58: {  	[sflag:s2] =	ssyncadd.s32 $0xFFFFE000  }
0x59: {  	_ =	swait.ge [sflag:s2], $0x2000  }
0x5a: {  	[sflag:s2] =	ssyncset.done $0x0  }
0x5b: {  	[sflag:s2] =	ssyncadd.s32 $0xFFFFE000  }
0x5c: {  	_ =	swait.ge [sflag:s2], $0x2000  }
0x5d: {  	[sflag:s2] =	ssyncset.done $0x0  }
0x5e: {  	[sflag:s2] =	ssyncadd.s32 $0xFFFFE000  }
0x5f: {  	_ =	swait.ge [sflag:s2], $0x2000  }
0x60: {  	[sflag:s2] =	ssyncset.done $0x0  }
0x61: {  	[sflag:s2] =	ssyncadd.s32 $0xFFFFE000  }
0x62: {  	_ =	swait.ge [sflag:s2], $0x2000  }
0x63: {  	[sflag:s2] =	ssyncset.done $0x0  }
0x64: {  	[sflag:s2] =	ssyncadd.s32 $0xFFFFE000  }
0x65: {  	_ =	swait.ge [sflag:s2], $0x2000  }
0x66: {  	s31 =	sadd.s32 $0xFFFFFFFF, s31;
	[sflag:s2] =	ssyncset.done $0x0  }
0x67: {  	p2 =	sne.s32 s31, $0x0;
	[sflag:s2] =	ssyncadd.s32 $0xFFFFE000  }
.Ltmp1:
0x68: {  	_ =	swait.ge [sflag:s2], $0x2000;
	(pc) =	sbr.rel @!p2 .LBB2_3-.Ltmp1, $4  }
0x69: {  	[sflag:s2] =	ssyncset.done $0x0  }
0x6a: {  	[sflag:s2] =	ssyncadd.s32 $0xFFFFE000  }
0x6b: {  	_ =	swait.ge [sflag:s2], $0x2000  }
0x6c: {  	p1 =	por $0x1, $0x1;
	s0 =	rddreg [dreg:$0xe];
	[sflag:s2] =	ssyncset.done $0x0  }
.LBB2_4:
0x6d: {  	s22 =	rddreg [dreg:$0x6]  }
0x6e: {  	[sflag:s2] =	ssyncadd.s32 $0xFFFFE000;
	s23 =	rddreg [dreg:$0x5]  }
0x6f: {  	[tilespmem:s1], [sflag:$0xA] =	stream.linear.gather [hbm4b:s22+s1], $0x200, $0x38;
	[tilespmem:$0x10520] =	vst v63  }
0x70: {  	[spmem:s0], [sflag:s29] =	dma.local @!p0 [hbm:s23], $0x640  }
0x71: {  	_ =	swait.ge @!p0 [sflag:s30], $0x640  }
0x72: {  	[sflag:s30] =	ssyncset.done @!p0 $0x0  }
0x73: {  	[sflag:s30] =	ssyncadd.s32 @!p0 $0xFFFFF9C0  }
0x74: {  	_ =	swait.ge [sflag:s20], $0x200  }
0x75: {  	[sflag:s20] =	ssyncset.done $0x0  }
0x76: {  	[sflag:s20] =	ssyncadd.s32 $0xFFFFFE00  }
0x77: {  	[bflag:$0x0] =	sbarrier.arrive $0xFFFF  }
0x78: {  	[tilespmem:s16], [sflag:$0x1] =	stream.indirect.gather [spmem:s3], $0x80, s1, s17, $0xb8;
	[tilespmem:$0x10520] =	vst v63  }
0x79: {  	_ = 	snop  }
0x7a: {  	[tilespmem:s14], [sflag:$0x2] =	stream.indirect.gather [spmem:s3], $0x80, s17, s17, $0xb8;
	[tilespmem:$0x10520] =	vst v63  }
0x7b: {  	s0 =	rddreg [dreg:$0xf]  }
0x7c: {  	[tilespmem:s11], [sflag:$0x3] =	stream.indirect.gather [spmem:s3], $0x80, s0, s17, $0xb8;
	[tilespmem:$0x10520] =	vst v63  }
0x7d: {  	s22 =	simm.s32 $0xC0  }
0x7e: {  	[tilespmem:s9], [sflag:$0x4] =	stream.indirect.gather [spmem:s3], $0x80, s22, s17, $0xb8;
	[tilespmem:$0x10520] =	vst v63  }
0x7f: {  	s23 =	simm.s32 $0x100  }
0x80: {  	[tilespmem:s8], [sflag:$0x5] =	stream.indirect.gather [spmem:s3], $0x80, s23, s17, $0xb8;
	[tilespmem:$0x10520] =	vst v63  }
0x81: {  	_ = 	snop  }
0x82: {  	[tilespmem:s7], [sflag:$0x6] =	stream.indirect.gather [spmem:s3], $0x80, s24, s17, $0xb8;
	[tilespmem:$0x10520] =	vst v63  }
0x83: {  	_ = 	snop  }
0x84: {  	[tilespmem:s6], [sflag:$0x7] =	stream.indirect.gather [spmem:s3], $0x80, s25, s17, $0xb8;
	[tilespmem:$0x10520] =	vst v63  }
0x85: {  	_ = 	snop  }
0x86: {  	[tilespmem:s5], [sflag:$0x8] =	stream.indirect.gather [spmem:s3], $0x80, s28, s17, $0xb8;
	[tilespmem:$0x10520] =	vst v63  }
0x87: {  	_ =	swait.ge [sflag:s26], $0x2000  }
0x88: {  	[sflag:s26] =	ssyncset.done $0x0  }
0x89: {  	[sflag:s26] =	ssyncadd.s32 $0xFFFFE000  }
0x8a: {  	[hbm4b:s4+s1] =	stream.linear.scatter [tilespmem:s16], [sflag:$0x9], $0x2000, $0x38;
	[tilespmem:$0x10520] =	vst v63  }
0x8b: {  	_ =	swait.ge [sflag:s21], $0x2000  }
0x8c: {  	[sflag:s21] =	ssyncset.done $0x0  }
0x8d: {  	s23 =	rddreg [dreg:$0x7];
	[sflag:s21] =	ssyncadd.s32 $0xFFFFE000  }
0x8e: {  	[hbm4b:s23+s1] =	stream.linear.scatter [tilespmem:s14], [sflag:$0x9], $0x2000, $0x38;
	[tilespmem:$0x10520] =	vst v63  }
0x8f: {  	_ =	swait.ge [sflag:s19], $0x2000  }
0x90: {  	[sflag:s19] =	ssyncset.done $0x0  }
0x91: {  	s22 =	rddreg [dreg:$0x8];
	[sflag:s19] =	ssyncadd.s32 $0xFFFFE000  }
0x92: {  	[hbm4b:s22+s1] =	stream.linear.scatter [tilespmem:s11], [sflag:$0x9], $0x2000, $0x38;
	[tilespmem:$0x10520] =	vst v63  }
0x93: {  	_ =	swait.ge [sflag:s18], $0x2000  }
0x94: {  	[sflag:s18] =	ssyncset.done $0x0  }
0x95: {  	s23 =	rddreg [dreg:$0x9];
	[sflag:s18] =	ssyncadd.s32 $0xFFFFE000  }
0x96: {  	[hbm4b:s23+s1] =	stream.linear.scatter [tilespmem:s9], [sflag:$0x9], $0x2000, $0x38;
	[tilespmem:$0x10520] =	vst v63  }
0x97: {  	_ =	swait.ge [sflag:s15], $0x2000  }
0x98: {  	[sflag:s15] =	ssyncset.done $0x0  }
0x99: {  	s22 =	rddreg [dreg:$0xa];
	[sflag:s15] =	ssyncadd.s32 $0xFFFFE000  }
0x9a: {  	[hbm4b:s22+s1] =	stream.linear.scatter [tilespmem:s8], [sflag:$0x9], $0x2000, $0x38;
	[tilespmem:$0x10520] =	vst v63  }
0x9b: {  	_ =	swait.ge [sflag:s13], $0x2000  }
0x9c: {  	[sflag:s13] =	ssyncset.done $0x0  }
0x9d: {  	s23 =	rddreg [dreg:$0xb];
	[sflag:s13] =	ssyncadd.s32 $0xFFFFE000  }
0x9e: {  	[hbm4b:s23+s1] =	stream.linear.scatter [tilespmem:s7], [sflag:$0x9], $0x2000, $0x38;
	[tilespmem:$0x10520] =	vst v63  }
0x9f: {  	_ =	swait.ge [sflag:s12], $0x2000  }
0xa0: {  	[sflag:s12] =	ssyncset.done $0x0  }
0xa1: {  	s22 =	rddreg [dreg:$0xc];
	[sflag:s12] =	ssyncadd.s32 $0xFFFFE000  }
0xa2: {  	[hbm4b:s22+s1] =	stream.linear.scatter [tilespmem:s6], [sflag:$0x9], $0x2000, $0x38;
	[tilespmem:$0x10520] =	vst v63  }
0xa3: {  	_ =	swait.ge [sflag:s10], $0x2000  }
0xa4: {  	[sflag:s10] =	ssyncset.done $0x0  }
0xa5: {  	s23 =	rddreg [dreg:$0xd];
	[sflag:s10] =	ssyncadd.s32 $0xFFFFE000  }
0xa6: {  	[hbm4b:s23+s1] =	stream.linear.scatter [tilespmem:s5], [sflag:$0x9], $0x2000, $0x38;
	[tilespmem:$0x10520] =	vst v63  }
0xa7: {  	_ =	swait.ge [sflag:s2], $0x2000  }
0xa8: {  	[sflag:s2] =	ssyncset.done $0x0  }
0xa9: {  	[sflag:s2] =	ssyncadd.s32 $0xFFFFE000  }
0xaa: {  	_ =	swait.ge [sflag:s2], $0x2000  }
0xab: {  	[sflag:s2] =	ssyncset.done $0x0  }
0xac: {  	[sflag:s2] =	ssyncadd.s32 $0xFFFFE000  }
0xad: {  	_ =	swait.ge [sflag:s2], $0x2000  }
0xae: {  	[sflag:s2] =	ssyncset.done $0x0  }
0xaf: {  	[sflag:s2] =	ssyncadd.s32 $0xFFFFE000  }
0xb0: {  	_ =	swait.ge [sflag:s2], $0x2000  }
0xb1: {  	[sflag:s2] =	ssyncset.done $0x0  }
0xb2: {  	[sflag:s2] =	ssyncadd.s32 $0xFFFFE000  }
0xb3: {  	_ =	swait.ge [sflag:s2], $0x2000  }
0xb4: {  	[sflag:s2] =	ssyncset.done $0x0  }
0xb5: {  	[sflag:s2] =	ssyncadd.s32 $0xFFFFE000  }
0xb6: {  	_ =	swait.ge [sflag:s2], $0x2000  }
0xb7: {  	s31 =	sadd.s32 $0xFFFFFFFF, s31;
	[sflag:s2] =	ssyncset.done $0x0  }
0xb8: {  	p2 =	sne.s32 s31, $0x0;
	[sflag:s2] =	ssyncadd.s32 $0xFFFFE000  }
.Ltmp2:
0xb9: {  	_ =	swait.ge [sflag:s2], $0x2000;
	(pc) =	sbr.rel @p2 .LBB2_4-.Ltmp2, $4  }
0xba: {  	[sflag:s2] =	ssyncset.done $0x0  }
0xbb: {  	[sflag:s2] =	ssyncadd.s32 $0xFFFFE000  }
0xbc: {  	_ =	swait.ge [sflag:s2], $0x2000  }
0xbd: {  	s0 =	rddreg [dreg:$0xe];
	[sflag:s2] =	ssyncset.done $0x0  }
0xbe: {  	s31 =	simm.s32 $0x100;
	s30 =	simm.s32 $0xC0;
	s29 =	rddreg [dreg:$0x4]  }
.LBB2_6:
0xbf: {  	s22 =	rddreg [dreg:$0x6];
	[sflag:s2] =	ssyncadd.s32 @p1 $0xFFFFE000  }
0xc0: {  	[tilespmem:s1], [sflag:$0xA] =	stream.linear.gather [hbm4b:s22+s1], $0x200, $0x38;
	[tilespmem:$0x10520] =	vst v63  }
0xc1: {  	s23 =	rddreg [dreg:$0x5];
	s22 =	simm.s32 @!p0 $0x1C0B  }
0xc2: {  	[spmem:s0], [sflag:s22] =	dma.local @!p0 [hbm:s23], $0x640  }
0xc3: {  	s0 =	simm.s32 @!p0 $0xB  }
0xc4: {  	_ =	swait.ge @!p0 [sflag:s0], $0x640  }
0xc5: {  	[sflag:s0] =	ssyncset.done @!p0 $0x0  }
0xc6: {  	[sflag:s0] =	ssyncadd.s32 @!p0 $0xFFFFF9C0  }
0xc7: {  	_ =	swait.ge [sflag:s20], $0x200  }
0xc8: {  	[sflag:s20] =	ssyncset.done $0x0  }
0xc9: {  	[sflag:s20] =	ssyncadd.s32 $0xFFFFFE00  }
0xca: {  	[bflag:$0x0] =	sbarrier.arrive $0xFFFF  }
0xcb: {  	[tilespmem:s16], [sflag:$0x1] =	stream.indirect.gather [spmem:s3], $0x80, s1, s17, $0xb8;
	[tilespmem:$0x10520] =	vst v63  }
0xcc: {  	_ = 	snop  }
0xcd: {  	[tilespmem:s14], [sflag:$0x2] =	stream.indirect.gather [spmem:s3], $0x80, s17, s17, $0xb8;
	[tilespmem:$0x10520] =	vst v63  }
0xce: {  	s22 =	rddreg [dreg:$0xf]  }
0xcf: {  	[tilespmem:s11], [sflag:$0x3] =	stream.indirect.gather [spmem:s3], $0x80, s22, s17, $0xb8;
	[tilespmem:$0x10520] =	vst v63  }
0xd0: {  	_ = 	snop  }
0xd1: {  	[tilespmem:s9], [sflag:$0x4] =	stream.indirect.gather [spmem:s3], $0x80, s30, s17, $0xb8;
	[tilespmem:$0x10520] =	vst v63  }
0xd2: {  	_ = 	snop  }
0xd3: {  	[tilespmem:s8], [sflag:$0x5] =	stream.indirect.gather [spmem:s3], $0x80, s31, s17, $0xb8;
	[tilespmem:$0x10520] =	vst v63  }
0xd4: {  	_ = 	snop  }
0xd5: {  	[tilespmem:s7], [sflag:$0x6] =	stream.indirect.gather [spmem:s3], $0x80, s24, s17, $0xb8;
	[tilespmem:$0x10520] =	vst v63  }
0xd6: {  	_ = 	snop  }
0xd7: {  	[tilespmem:s6], [sflag:$0x7] =	stream.indirect.gather [spmem:s3], $0x80, s25, s17, $0xb8;
	[tilespmem:$0x10520] =	vst v63  }
0xd8: {  	_ = 	snop  }
0xd9: {  	[tilespmem:s5], [sflag:$0x8] =	stream.indirect.gather [spmem:s3], $0x80, s28, s17, $0xb8;
	[tilespmem:$0x10520] =	vst v63  }
0xda: {  	_ =	swait.ge [sflag:s26], $0x2000  }
0xdb: {  	[sflag:s26] =	ssyncset.done $0x0  }
0xdc: {  	[sflag:s26] =	ssyncadd.s32 $0xFFFFE000  }
0xdd: {  	[hbm4b:s4+s1] =	stream.linear.scatter [tilespmem:s16], [sflag:$0x9], $0x2000, $0x38;
	[tilespmem:$0x10520] =	vst v63  }
0xde: {  	_ =	swait.ge [sflag:s21], $0x2000  }
0xdf: {  	[sflag:s21] =	ssyncset.done $0x0  }
0xe0: {  	s23 =	rddreg [dreg:$0x7];
	[sflag:s21] =	ssyncadd.s32 $0xFFFFE000  }
0xe1: {  	[hbm4b:s23+s1] =	stream.linear.scatter [tilespmem:s14], [sflag:$0x9], $0x2000, $0x38;
	[tilespmem:$0x10520] =	vst v63  }
0xe2: {  	_ =	swait.ge [sflag:s19], $0x2000  }
0xe3: {  	[sflag:s19] =	ssyncset.done $0x0  }
0xe4: {  	s24 =	rddreg [dreg:$0x8];
	[sflag:s19] =	ssyncadd.s32 $0xFFFFE000  }
0xe5: {  	[hbm4b:s24+s1] =	stream.linear.scatter [tilespmem:s11], [sflag:$0x9], $0x2000, $0x38;
	[tilespmem:$0x10520] =	vst v63  }
0xe6: {  	_ =	swait.ge [sflag:s18], $0x2000  }
0xe7: {  	[sflag:s18] =	ssyncset.done $0x0  }
0xe8: {  	s25 =	rddreg [dreg:$0x9];
	[sflag:s18] =	ssyncadd.s32 $0xFFFFE000  }
0xe9: {  	[hbm4b:s25+s1] =	stream.linear.scatter [tilespmem:s9], [sflag:$0x9], $0x2000, $0x38;
	[tilespmem:$0x10520] =	vst v63  }
0xea: {  	_ =	swait.ge [sflag:s15], $0x2000  }
0xeb: {  	[sflag:s15] =	ssyncset.done $0x0  }
0xec: {  	s26 =	rddreg [dreg:$0xa];
	[sflag:s15] =	ssyncadd.s32 $0xFFFFE000  }
0xed: {  	[hbm4b:s26+s1] =	stream.linear.scatter [tilespmem:s8], [sflag:$0x9], $0x2000, $0x38;
	[tilespmem:$0x10520] =	vst v63  }
0xee: {  	_ =	swait.ge [sflag:s13], $0x2000  }
0xef: {  	[sflag:s13] =	ssyncset.done $0x0  }
0xf0: {  	s28 =	rddreg [dreg:$0xb];
	[sflag:s13] =	ssyncadd.s32 $0xFFFFE000  }
0xf1: {  	[hbm4b:s28+s1] =	stream.linear.scatter [tilespmem:s7], [sflag:$0x9], $0x2000, $0x38;
	[tilespmem:$0x10520] =	vst v63  }
0xf2: {  	_ =	swait.ge [sflag:s12], $0x2000  }
0xf3: {  	[sflag:s12] =	ssyncset.done $0x0  }
0xf4: {  	s30 =	rddreg [dreg:$0xc];
	[sflag:s12] =	ssyncadd.s32 $0xFFFFE000  }
0xf5: {  	[hbm4b:s30+s1] =	stream.linear.scatter [tilespmem:s6], [sflag:$0x9], $0x2000, $0x38;
	[tilespmem:$0x10520] =	vst v63  }
0xf6: {  	_ =	swait.ge [sflag:s10], $0x2000  }
0xf7: {  	[sflag:s10] =	ssyncset.done $0x0  }
0xf8: {  	s31 =	rddreg [dreg:$0xd];
	[sflag:s10] =	ssyncadd.s32 $0xFFFFE000  }
0xf9: {  	[hbm4b:s31+s1] =	stream.linear.scatter [tilespmem:s5], [sflag:$0x9], $0x2000, $0x38;
	[tilespmem:$0x10520] =	vst v63  }
0xfa: {  	_ =	swait.ge [sflag:s2], $0x2000  }
0xfb: {  	[sflag:s2] =	ssyncset.done $0x0  }
0xfc: {  	[sflag:s2] =	ssyncadd.s32 $0xFFFFE000  }
0xfd: {  	_ =	swait.ge [sflag:s2], $0x2000  }
0xfe: {  	[sflag:s2] =	ssyncset.done $0x0  }
0xff: {  	[sflag:s2] =	ssyncadd.s32 $0xFFFFE000  }
0x100: {  	_ =	swait.ge [sflag:s2], $0x2000  }
0x101: {  	[sflag:s2] =	ssyncset.done $0x0  }
0x102: {  	[sflag:s2] =	ssyncadd.s32 $0xFFFFE000  }
0x103: {  	_ =	swait.ge [sflag:s2], $0x2000  }
0x104: {  	[sflag:s2] =	ssyncset.done $0x0  }
0x105: {  	[sflag:s2] =	ssyncadd.s32 $0xFFFFE000  }
0x106: {  	_ =	swait.ge [sflag:s2], $0x2000  }
0x107: {  	[sflag:s2] =	ssyncset.done $0x0  }
0x108: {  	[sflag:s2] =	ssyncadd.s32 $0xFFFFE000  }
0x109: {  	_ =	swait.ge [sflag:s2], $0x2000  }
0x10a: {  	[sflag:s2] =	ssyncset.done $0x0  }
0x10b: {  	[sflag:s2] =	ssyncadd.s32 $0xFFFFE000  }
0x10c: {  	_ =	swait.ge [sflag:s2], $0x2000  }
0x10d: {  	[sflag:s2] =	ssyncset.done $0x0  }
0x10e: {  	[sflag:s2] =	ssyncadd.s32 $0xFFFFE000  }
0x10f: {  	_ =	swait.ge [sflag:s2], $0x2000  }
0x110: {  	[sflag:s2] =	ssyncset.done $0x0  }
0x111: {  	[sflag:s2] =	ssyncadd.s32 $0xFFFFE000  }
0x112: {  	_ =	sfence.sel $0x180000  }
0x113: {  	[bflag:$0x0] =	sbarrier.arrive $0xFFFF  }
0x114: {  	_ =	strace $0x90000047  }
0x115: {  	s0 =	sadd.s32 @!p0 $0x100000, s29;
	[bflag:$0x2] =	sbarrier.arrive $0xFFFF  }
0x116: {  	[sflag:s0] =	ssyncadd.tile.s32 @!p0 $0x1;
	_ =	shalt  }
.LBB2_1:
.Ltmp3:
0x117: {  	(pc) =	sbr.rel .LBB2_6-.Ltmp3, $2  }
0x118: {  	_ =	sdelay $0x2  }
0x119: {  	s31 =	simm.s32 $0x100;
	s30 =	simm.s32 $0xC0  }
.LBB2_3:
.Ltmp4:
0x11a: {  	(pc) =	sbr.rel .LBB2_6-.Ltmp4, $2  }
0x11b: {  	_ =	sdelay $0x2  }
0x11c: {  	s31 =	simm.s32 $0x100;
	s30 =	simm.s32 $0xC0;
	s29 =	rddreg [dreg:$0x4]  }
.Lfunc_end2:
_tile_overlayer_lowered:
.L_overlay_start_2:
0x11d: {  	(tag) =	ssettag $0x2  }
0x11e: {  	s0 =	rddreg [dreg:$0x0];
	s2 =	stileid.u32  }
0x11f: {  	s1 =	rddreg [dreg:$0x1];
	p0 =	sne.s32 s2, $0x0  }
0x120: {  	s3 =	rddreg [dreg:$0x2];
	[bflag:$0x3] =	sbarrier.arrive $0xFFFF;
	s2 =	simm.s32 @!p0 $0x1C0B  }
0x121: {  	[timem:s3], [sflag:s2] =	dma.local @!p0 [hbm:s0], s1  }
0x122: {  	s0 =	simm.s32 @!p0 $0xB  }
0x123: {  	_ =	swait.ge @!p0 [sflag:s0], s1  }
0x124: {  	s1 =	ssub.s32 @!p0 $0x0, s1;
	[sflag:s0] =	ssyncset.done @!p0 $0x0  }
0x125: {  	[sflag:s0] =	ssyncadd.s32 @!p0 s1  }
0x126: {  	[bflag:$0x3] =	sbarrier.arrive $0xFFFF  }
0x127: {  	_ =	shalt  }

</sc_bundles>
